<compile_context>
chip_gen: v7x
topology: tpu7x:2x2x1
jax: 0.10.2.dev20260603
libtpu: 0.0.44.dev20260713+nightly
codegen_flags: <defaults>
</compile_context>

<pallas_src>
import functools

import jax
import jax.numpy as jnp
from jax import lax
from jax.experimental import pallas as pl
from jax.experimental.pallas import tpu as pltpu
from jax.experimental.pallas import tpu_sc as plsc

NUM_CORES = 2
NUM_SUBCORES = 16
NUM_WORKERS = NUM_CORES * NUM_SUBCORES
LANES = 16


@functools.cache
def _embedding_kernel(B, V, D):
    b_per_w = B // NUM_WORKERS
    mesh = plsc.VectorSubcoreMesh(core_axis_name="c", subcore_axis_name="s")

    @functools.partial(
        pl.kernel,
        mesh=mesh,
        out_type=jax.ShapeDtypeStruct((B, D), jnp.float32),
        scratch_types=[
            pltpu.VMEM((b_per_w,), jnp.int32),
            pltpu.VMEM((b_per_w, D), jnp.float32),
            pltpu.SemaphoreType.DMA,
        ],
        compiler_params=pltpu.CompilerParams(needs_layout_passes=False),
    )
    def k(idx_hbm, table_hbm, out_hbm, ids_v, rows_v, sem):
        wid = lax.axis_index("s") * NUM_CORES + lax.axis_index("c")
        base = wid * b_per_w
        pltpu.sync_copy(idx_hbm.at[pl.ds(base, b_per_w)], ids_v)
        lanes = lax.iota(jnp.int32, LANES)

        @pl.loop(0, b_per_w // LANES)
        def _grp(g):
            ids16 = ids_v[pl.ds(g * LANES, LANES)]
            for j in range(LANES):
                r = jnp.sum(jnp.where(lanes == j, ids16, 0))
                pltpu.async_copy(
                    table_hbm.at[r], rows_v.at[g * LANES + j], sem
                )

        pltpu.make_async_copy(
            table_hbm.at[pl.ds(0, b_per_w)], rows_v, sem
        ).wait()
        pltpu.sync_copy(rows_v, out_hbm.at[pl.ds(base, b_per_w)])

    return k


def kernel(x, weight):
    (B,) = x.shape
    V, D = weight.shape
    return _embedding_kernel(B, V, D)(x.astype(jnp.int32), weight)

# --- scband reference (transcript-rebuilt; emitter-appended) ---
"""Pipeline reference for scband-vocab-parallel-embedding-9053791060136 (READ-ONLY COPY).

The authoritative reference and input builder live on the scoring server;
editing this copy changes nothing except your own understanding.
"""

import jax, jax.numpy as jnp
import numpy as np

NUM_EMBEDDINGS = 1000000
EMBEDDING_DIM = 64
BATCH = 16384

def setup_inputs(seed: int = 0) -> dict:
    key = jax.random.key(seed)
    k1, k2 = jax.random.split(key)
    x = jax.random.randint(k1, (BATCH,), 0, NUM_EMBEDDINGS, dtype=jnp.int64) if jax.config.jax_enable_x64 else jax.random.randint(k1, (BATCH,), 0, NUM_EMBEDDINGS, dtype=jnp.int32)
    weight = jax.random.normal(k2, (NUM_EMBEDDINGS, EMBEDDING_DIM), dtype=jnp.float32) * 0.02
    return {"x": x, "weight": weight}

def reference(x, weight):
    # tp_size == 1 path: plain embedding lookup (gather rows of the table).
    # With tp_size > 1 the module masks out-of-partition ids, gathers locally,
    # zeros masked rows, and all-reduces; with a single partition this reduces
    # to F.embedding(x, weight).
    y = jnp.take(weight, x, axis=0)
    return y

if __name__ == "__main__":
    import jax
    _d = setup_inputs()
    print(jax.jit(kernel)(*tuple(_d.values())))

</pallas_src>

<mosaic_0001>
#map = affine_map<(d0, d1) -> (0)>
#map1 = affine_map<(d0, d1) -> (0, 0)>
module attributes {stable_mosaic.version = 14 : i64} {
  func.func @k(%arg0: i32, %arg1: i32, %arg2: memref<16384xi32, #tpu.memory_space<hbm>>, %arg3: memref<1000000x64xf32, #tpu.memory_space<hbm>>, %arg4: memref<16384x64xf32, #tpu.memory_space<hbm>>, %arg5: memref<512xi32, #tpu.memory_space<vmem>>, %arg6: memref<512x64xf32, #tpu.memory_space<vmem>>, %arg7: memref<!tpu.dma_semaphore, #tpu.memory_space<semaphore_mem>>) attributes {dimension_semantics = [#tpu.dimension_semantics<core_parallel>, #tpu.dimension_semantics<subcore_parallel>], iteration_bounds = array<i64: 2, 16>, scalar_prefetch = 0 : i64, scratch_operands = 3 : i64, tpu.core_type = #tpu.core_type<sc_vector_subcore>, window_params = [{transform_indices = #map}, {transform_indices = #map1}, {transform_indices = #map1}]} {
    %mul3A = arith.constant 2 : i32
    %mul3A_0 = arith.muli %arg1, %mul3A : i32
    %add3A = arith.addi %mul3A_0, %arg0 : i32
    %mul3A_1 = arith.constant 512 : i32
    %mul3A_2 = arith.muli %add3A, %mul3A_1 : i32
    "tpu.region"() ({
      %run_scoped3A = tpu.sem_alloc : memref<!tpu.dma_semaphore, #tpu.memory_space<semaphore_mem>>
      %dma_start3A = tpu.memref_slice %arg2[%mul3A_2] : memref<16384xi32, #tpu.memory_space<hbm>> -> memref<512xi32, #tpu.memory_space<hbm>>
      %dma_start3A_12 = tpu.memref_slice %arg2[%mul3A_2] : memref<16384xi32, #tpu.memory_space<hbm>> -> memref<512xi32, #tpu.memory_space<hbm>>
      tpu.enqueue_dma source(%dma_start3A_12 : memref<512xi32, #tpu.memory_space<hbm>>) target(%arg5 : memref<512xi32, #tpu.memory_space<vmem>>) target_semaphore(%run_scoped3A : memref<!tpu.dma_semaphore, #tpu.memory_space<semaphore_mem>>)
      %dma_wait3A_13 = tpu.memref_slice %arg2[%mul3A_2] : memref<16384xi32, #tpu.memory_space<hbm>> -> memref<512xi32, #tpu.memory_space<hbm>>
      %dma_wait3A_14 = tpu.memref_slice %arg2[%mul3A_2] : memref<16384xi32, #tpu.memory_space<hbm>> -> memref<512xi32, #tpu.memory_space<hbm>>
      tpu.wait_dma2 semaphore(%run_scoped3A : memref<!tpu.dma_semaphore, #tpu.memory_space<semaphore_mem>>) src(%dma_wait3A_14 : memref<512xi32, #tpu.memory_space<hbm>>) dst(%arg5 : memref<512xi32, #tpu.memory_space<vmem>>)
      tpu.yield
    }) : () -> ()
    %iota3A = tpu.iota {dimensions = array<i32: 0>} : vector<16xi32>
    %scan3A = arith.constant 0 : i32
    %scan3A_3 = arith.constant 32 : i32
    %scan3A_4 = arith.addi %scan3A, %scan3A_3 : i32
    %scan3A_5 = arith.constant 1 : i32
    scf.for %scan3A_12 = %scan3A to %scan3A_4 step %scan3A_5  : i32 {
      %mul3A_13 = arith.constant 1 : i32
      %mul3A_14 = arith.muli %scan3A_12, %mul3A_13 : i32
      %add3A_15 = arith.constant 0 : i32
      %add3A_16 = arith.addi %add3A_15, %mul3A_14 : i32
      %mul3A_17 = arith.constant 16 : i32
      %mul3A_18 = arith.muli %add3A_16, %mul3A_17 : i32
      %get3A = arith.index_cast %mul3A_18 : i32 to index
      %get3A_19 = tpu.vector_load %arg5[%get3A] {strides = array<i32>} : memref<512xi32, #tpu.memory_space<vmem>>, vector<16xi32>,
      %eq3A = arith.constant 0 : i32
      %eq3A_20 = vector.broadcast %eq3A : i32 to vector<16xi32>
      %eq3A_21 = arith.cmpi eq, %iota3A, %eq3A_20 : vector<16xi32>
      %jit3A = arith.constant 0 : i32
      %broadcast_in_dim3A = vector.broadcast %jit3A : i32 to vector<16xi32>
      %select_n3A = arith.select %eq3A_21, %get3A_19, %broadcast_in_dim3A : vector<16xi1>, vector<16xi32>
      %reduce_sum3A = arith.constant true
      %reduce_sum3A_22 = vector.broadcast %reduce_sum3A : i1 to vector<16xi1>
      %reduce_sum3A_23 = tpu.scan <sum>, %select_n3A masked %reduce_sum3A_22 : vector<16xi32>, vector<16xi1> -> vector<16xi32>
      %reduce_sum3A_24 = vector.extract %reduce_sum3A_23[15] : i32 from vector<16xi32>
      %mul3A_25 = arith.constant 16 : i32
      %mul3A_26 = arith.muli %add3A_16, %mul3A_25 : i32
      %add3A_27 = arith.constant 0 : i32
      %add3A_28 = arith.addi %mul3A_26, %add3A_27 : i32
      %dma_start3A = arith.constant 0 : i32
      %dma_start3A_29 = tpu.memref_slice %arg6[%add3A_28, %dma_start3A] : memref<512x64xf32, #tpu.memory_space<vmem>> -> memref<1x64xf32, #tpu.memory_space<vmem>>
      %dma_start3A_30 = tpu.memref_squeeze %dma_start3A_29 : memref<1x64xf32, #tpu.memory_space<vmem>> -> memref<64xf32, #tpu.memory_space<vmem>>
      %dma_start3A_31 = arith.constant 0 : i32
      %dma_start3A_32 = tpu.memref_slice %arg3[%reduce_sum3A_24, %dma_start3A_31] : memref<1000000x64xf32, #tpu.memory_space<hbm>> -> memref<1x64xf32, #tpu.memory_space<hbm>>
      %dma_start3A_33 = tpu.memref_squeeze %dma_start3A_32 : memref<1x64xf32, #tpu.memory_space<hbm>> -> memref<64xf32, #tpu.memory_space<hbm>>
      %dma_start3A_34 = arith.constant 0 : i32
      %dma_start3A_35 = tpu.memref_slice %arg6[%add3A_28, %dma_start3A_34] : memref<512x64xf32, #tpu.memory_space<vmem>> -> memref<1x64xf32, #tpu.memory_space<vmem>>
      %dma_start3A_36 = tpu.memref_squeeze %dma_start3A_35 : memref<1x64xf32, #tpu.memory_space<vmem>> -> memref<64xf32, #tpu.memory_space<vmem>>
      %dma_start3A_37 = arith.constant 0 : i32
      %dma_start3A_38 = tpu.memref_slice %arg3[%reduce_sum3A_24, %dma_start3A_37] : memref<1000000x64xf32, #tpu.memory_space<hbm>> -> memref<1x64xf32, #tpu.memory_space<hbm>>
      %dma_start3A_39 = tpu.memref_squeeze %dma_start3A_38 : memref<1x64xf32, #tpu.memory_space<hbm>> -> memref<64xf32, #tpu.memory_space<hbm>>
      tpu.enqueue_dma source(%dma_start3A_39 : memref<64xf32, #tpu.memory_space<hbm>>) target(%dma_start3A_36 : memref<64xf32, #tpu.memory_space<vmem>>) target_semaphore(%arg7 : memref<!tpu.dma_semaphore, #tpu.memory_space<semaphore_mem>>)
      %eq3A_40 = arith.constant 1 : i32
      %eq3A_41 = vector.broadcast %eq3A_40 : i32 to vector<16xi32>
      %eq3A_42 = arith.cmpi eq, %iota3A, %eq3A_41 : vector<16xi32>
      %jit3A_43 = arith.constant 0 : i32
      %broadcast_in_dim3A_44 = vector.broadcast %jit3A_43 : i32 to vector<16xi32>
      %select_n3A_45 = arith.select %eq3A_42, %get3A_19, %broadcast_in_dim3A_44 : vector<16xi1>, vector<16xi32>
      %reduce_sum3A_46 = arith.constant true
      %reduce_sum3A_47 = vector.broadcast %reduce_sum3A_46 : i1 to vector<16xi1>
      %reduce_sum3A_48 = tpu.scan <sum>, %select_n3A_45 masked %reduce_sum3A_47 : vector<16xi32>, vector<16xi1> -> vector<16xi32>
      %reduce_sum3A_49 = vector.extract %reduce_sum3A_48[15] : i32 from vector<16xi32>
      %mul3A_50 = arith.constant 16 : i32
      %mul3A_51 = arith.muli %add3A_16, %mul3A_50 : i32
      %add3A_52 = arith.constant 1 : i32
      %add3A_53 = arith.addi %mul3A_51, %add3A_52 : i32
      %dma_start3A_54 = arith.constant 0 : i32
      %dma_start3A_55 = tpu.memref_slice %arg6[%add3A_53, %dma_start3A_54] : memref<512x64xf32, #tpu.memory_space<vmem>> -> memref<1x64xf32, #tpu.memory_space<vmem>>
      %dma_start3A_56 = tpu.memref_squeeze %dma_start3A_55 : memref<1x64xf32, #tpu.memory_space<vmem>> -> memref<64xf32, #tpu.memory_space<vmem>>
      %dma_start3A_57 = arith.constant 0 : i32
      %dma_start3A_58 = tpu.memref_slice %arg3[%reduce_sum3A_49, %dma_start3A_57] : memref<1000000x64xf32, #tpu.memory_space<hbm>> -> memref<1x64xf32, #tpu.memory_space<hbm>>
      %dma_start3A_59 = tpu.memref_squeeze %dma_start3A_58 : memref<1x64xf32, #tpu.memory_space<hbm>> -> memref<64xf32, #tpu.memory_space<hbm>>
      %dma_start3A_60 = arith.constant 0 : i32
      %dma_start3A_61 = tpu.memref_slice %arg6[%add3A_53, %dma_start3A_60] : memref<512x64xf32, #tpu.memory_space<vmem>> -> memref<1x64xf32, #tpu.memory_space<vmem>>
      %dma_start3A_62 = tpu.memref_squeeze %dma_start3A_61 : memref<1x64xf32, #tpu.memory_space<vmem>> -> memref<64xf32, #tpu.memory_space<vmem>>
      %dma_start3A_63 = arith.constant 0 : i32
      %dma_start3A_64 = tpu.memref_slice %arg3[%reduce_sum3A_49, %dma_start3A_63] : memref<1000000x64xf32, #tpu.memory_space<hbm>> -> memref<1x64xf32, #tpu.memory_space<hbm>>
      %dma_start3A_65 = tpu.memref_squeeze %dma_start3A_64 : memref<1x64xf32, #tpu.memory_space<hbm>> -> memref<64xf32, #tpu.memory_space<hbm>>
      tpu.enqueue_dma source(%dma_start3A_65 : memref<64xf32, #tpu.memory_space<hbm>>) target(%dma_start3A_62 : memref<64xf32, #tpu.memory_space<vmem>>) target_semaphore(%arg7 : memref<!tpu.dma_semaphore, #tpu.memory_space<semaphore_mem>>)
      %eq3A_66 = arith.constant 2 : i32
      %eq3A_67 = vector.broadcast %eq3A_66 : i32 to vector<16xi32>
      %eq3A_68 = arith.cmpi eq, %iota3A, %eq3A_67 : vector<16xi32>
      %jit3A_69 = arith.constant 0 : i32
      %broadcast_in_dim3A_70 = vector.broadcast %jit3A_69 : i32 to vector<16xi32>
      %select_n3A_71 = arith.select %eq3A_68, %get3A_19, %broadcast_in_dim3A_70 : vector<16xi1>, vector<16xi32>
      %reduce_sum3A_72 = arith.constant true
      %reduce_sum3A_73 = vector.broadcast %reduce_sum3A_72 : i1 to vector<16xi1>
      %reduce_sum3A_74 = tpu.scan <sum>, %select_n3A_71 masked %reduce_sum3A_73 : vector<16xi32>, vector<16xi1> -> vector<16xi32>
      %reduce_sum3A_75 = vector.extract %reduce_sum3A_74[15] : i32 from vector<16xi32>
      %mul3A_76 = arith.constant 16 : i32
      %mul3A_77 = arith.muli %add3A_16, %mul3A_76 : i32
      %add3A_78 = arith.constant 2 : i32
      %add3A_79 = arith.addi %mul3A_77, %add3A_78 : i32
      %dma_start3A_80 = arith.constant 0 : i32
      %dma_start3A_81 = tpu.memref_slice %arg6[%add3A_79, %dma_start3A_80] : memref<512x64xf32, #tpu.memory_space<vmem>> -> memref<1x64xf32, #tpu.memory_space<vmem>>
      %dma_start3A_82 = tpu.memref_squeeze %dma_start3A_81 : memref<1x64xf32, #tpu.memory_space<vmem>> -> memref<64xf32, #tpu.memory_space<vmem>>
      %dma_start3A_83 = arith.constant 0 : i32
      %dma_start3A_84 = tpu.memref_slice %arg3[%reduce_sum3A_75, %dma_start3A_83] : memref<1000000x64xf32, #tpu.memory_space<hbm>> -> memref<1x64xf32, #tpu.memory_space<hbm>>
      %dma_start3A_85 = tpu.memref_squeeze %dma_start3A_84 : memref<1x64xf32, #tpu.memory_space<hbm>> -> memref<64xf32, #tpu.memory_space<hbm>>
      %dma_start3A_86 = arith.constant 0 : i32
      %dma_start3A_87 = tpu.memref_slice %arg6[%add3A_79, %dma_start3A_86] : memref<512x64xf32, #tpu.memory_space<vmem>> -> memref<1x64xf32, #tpu.memory_space<vmem>>
      %dma_start3A_88 = tpu.memref_squeeze %dma_start3A_87 : memref<1x64xf32, #tpu.memory_space<vmem>> -> memref<64xf32, #tpu.memory_space<vmem>>
      %dma_start3A_89 = arith.constant 0 : i32
      %dma_start3A_90 = tpu.memref_slice %arg3[%reduce_sum3A_75, %dma_start3A_89] : memref<1000000x64xf32, #tpu.memory_space<hbm>> -> memref<1x64xf32, #tpu.memory_space<hbm>>
      %dma_start3A_91 = tpu.memref_squeeze %dma_start3A_90 : memref<1x64xf32, #tpu.memory_space<hbm>> -> memref<64xf32, #tpu.memory_space<hbm>>
      tpu.enqueue_dma source(%dma_start3A_91 : memref<64xf32, #tpu.memory_space<hbm>>) target(%dma_start3A_88 : memref<64xf32, #tpu.memory_space<vmem>>) target_semaphore(%arg7 : memref<!tpu.dma_semaphore, #tpu.memory_space<semaphore_mem>>)
      %eq3A_92 = arith.constant 3 : i32
      %eq3A_93 = vector.broadcast %eq3A_92 : i32 to vector<16xi32>
      %eq3A_94 = arith.cmpi eq, %iota3A, %eq3A_93 : vector<16xi32>
      %jit3A_95 = arith.constant 0 : i32
      %broadcast_in_dim3A_96 = vector.broadcast %jit3A_95 : i32 to vector<16xi32>
      %select_n3A_97 = arith.select %eq3A_94, %get3A_19, %broadcast_in_dim3A_96 : vector<16xi1>, vector<16xi32>
      %reduce_sum3A_98 = arith.constant true
      %reduce_sum3A_99 = vector.broadcast %reduce_sum3A_98 : i1 to vector<16xi1>
      %reduce_sum3A_100 = tpu.scan <sum>, %select_n3A_97 masked %reduce_sum3A_99 : vector<16xi32>, vector<16xi1> -> vector<16xi32>
      %reduce_sum3A_101 = vector.extract %reduce_sum3A_100[15] : i32 from vector<16xi32>
      %mul3A_102 = arith.constant 16 : i32
      %mul3A_103 = arith.muli %add3A_16, %mul3A_102 : i32
      %add3A_104 = arith.constant 3 : i32
      %add3A_105 = arith.addi %mul3A_103, %add3A_104 : i32
      %dma_start3A_106 = arith.constant 0 : i32
      %dma_start3A_107 = tpu.memref_slice %arg6[%add3A_105, %dma_start3A_106] : memref<512x64xf32, #tpu.memory_space<vmem>> -> memref<1x64xf32, #tpu.memory_space<vmem>>
      %dma_start3A_108 = tpu.memref_squeeze %dma_start3A_107 : memref<1x64xf32, #tpu.memory_space<vmem>> -> memref<64xf32, #tpu.memory_space<vmem>>
      %dma_start3A_109 = arith.constant 0 : i32
      %dma_start3A_110 = tpu.memref_slice %arg3[%reduce_sum3A_101, %dma_start3A_109] : memref<1000000x64xf32, #tpu.memory_space<hbm>> -> memref<1x64xf32, #tpu.memory_space<hbm>>
      %dma_start3A_111 = tpu.memref_squeeze %dma_start3A_110 : memref<1x64xf32, #tpu.memory_space<hbm>> -> memref<64xf32, #tpu.memory_space<hbm>>
      %dma_start3A_112 = arith.constant 0 : i32
      %dma_start3A_113 = tpu.memref_slice %arg6[%add3A_105, %dma_start3A_112] : memref<512x64xf32, #tpu.memory_space<vmem>> -> memref<1x64xf32, #tpu.memory_space<vmem>>
      %dma_start3A_114 = tpu.memref_squeeze %dma_start3A_113 : memref<1x64xf32, #tpu.memory_space<vmem>> -> memref<64xf32, #tpu.memory_space<vmem>>
      %dma_start3A_115 = arith.constant 0 : i32
      %dma_start3A_116 = tpu.memref_slice %arg3[%reduce_sum3A_101, %dma_start3A_115] : memref<1000000x64xf32, #tpu.memory_space<hbm>> -> memref<1x64xf32, #tpu.memory_space<hbm>>
      %dma_start3A_117 = tpu.memref_squeeze %dma_start3A_116 : memref<1x64xf32, #tpu.memory_space<hbm>> -> memref<64xf32, #tpu.memory_space<hbm>>
      tpu.enqueue_dma source(%dma_start3A_117 : memref<64xf32, #tpu.memory_space<hbm>>) target(%dma_start3A_114 : memref<64xf32, #tpu.memory_space<vmem>>) target_semaphore(%arg7 : memref<!tpu.dma_semaphore, #tpu.memory_space<semaphore_mem>>)
      %eq3A_118 = arith.constant 4 : i32
      %eq3A_119 = vector.broadcast %eq3A_118 : i32 to vector<16xi32>
      %eq3A_120 = arith.cmpi eq, %iota3A, %eq3A_119 : vector<16xi32>
      %jit3A_121 = arith.constant 0 : i32
      %broadcast_in_dim3A_122 = vector.broadcast %jit3A_121 : i32 to vector<16xi32>
      %select_n3A_123 = arith.select %eq3A_120, %get3A_19, %broadcast_in_dim3A_122 : vector<16xi1>, vector<16xi32>
      %reduce_sum3A_124 = arith.constant true
      %reduce_sum3A_125 = vector.broadcast %reduce_sum3A_124 : i1 to vector<16xi1>
      %reduce_sum3A_126 = tpu.scan <sum>, %select_n3A_123 masked %reduce_sum3A_125 : vector<16xi32>, vector<16xi1> -> vector<16xi32>
      %reduce_sum3A_127 = vector.extract %reduce_sum3A_126[15] : i32 from vector<16xi32>
      %mul3A_128 = arith.constant 16 : i32
      %mul3A_129 = arith.muli %add3A_16, %mul3A_128 : i32
      %add3A_130 = arith.constant 4 : i32
      %add3A_131 = arith.addi %mul3A_129, %add3A_130 : i32
      %dma_start3A_132 = arith.constant 0 : i32
      %dma_start3A_133 = tpu.memref_slice %arg6[%add3A_131, %dma_start3A_132] : memref<512x64xf32, #tpu.memory_space<vmem>> -> memref<1x64xf32, #tpu.memory_space<vmem>>
      %dma_start3A_134 = tpu.memref_squeeze %dma_start3A_133 : memref<1x64xf32, #tpu.memory_space<vmem>> -> memref<64xf32, #tpu.memory_space<vmem>>
      %dma_start3A_135 = arith.constant 0 : i32
      %dma_start3A_136 = tpu.memref_slice %arg3[%reduce_sum3A_127, %dma_start3A_135] : memref<1000000x64xf32, #tpu.memory_space<hbm>> -> memref<1x64xf32, #tpu.memory_space<hbm>>
      %dma_start3A_137 = tpu.memref_squeeze %dma_start3A_136 : memref<1x64xf32, #tpu.memory_space<hbm>> -> memref<64xf32, #tpu.memory_space<hbm>>
      %dma_start3A_138 = arith.constant 0 : i32
      %dma_start3A_139 = tpu.memref_slice %arg6[%add3A_131, %dma_start3A_138] : memref<512x64xf32, #tpu.memory_space<vmem>> -> memref<1x64xf32, #tpu.memory_space<vmem>>
      %dma_start3A_140 = tpu.memref_squeeze %dma_start3A_139 : memref<1x64xf32, #tpu.memory_space<vmem>> -> memref<64xf32, #tpu.memory_space<vmem>>
      %dma_start3A_141 = arith.constant 0 : i32
      %dma_start3A_142 = tpu.memref_slice %arg3[%reduce_sum3A_127, %dma_start3A_141] : memref<1000000x64xf32, #tpu.memory_space<hbm>> -> memref<1x64xf32, #tpu.memory_space<hbm>>
      %dma_start3A_143 = tpu.memref_squeeze %dma_start3A_142 : memref<1x64xf32, #tpu.memory_space<hbm>> -> memref<64xf32, #tpu.memory_space<hbm>>
      tpu.enqueue_dma source(%dma_start3A_143 : memref<64xf32, #tpu.memory_space<hbm>>) target(%dma_start3A_140 : memref<64xf32, #tpu.memory_space<vmem>>) target_semaphore(%arg7 : memref<!tpu.dma_semaphore, #tpu.memory_space<semaphore_mem>>)
      %eq3A_144 = arith.constant 5 : i32
      %eq3A_145 = vector.broadcast %eq3A_144 : i32 to vector<16xi32>
      %eq3A_146 = arith.cmpi eq, %iota3A, %eq3A_145 : vector<16xi32>
      %jit3A_147 = arith.constant 0 : i32
      %broadcast_in_dim3A_148 = vector.broadcast %jit3A_147 : i32 to vector<16xi32>
      %select_n3A_149 = arith.select %eq3A_146, %get3A_19, %broadcast_in_dim3A_148 : vector<16xi1>, vector<16xi32>
      %reduce_sum3A_150 = arith.constant true
      %reduce_sum3A_151 = vector.broadcast %reduce_sum3A_150 : i1 to vector<16xi1>
      %reduce_sum3A_152 = tpu.scan <sum>, %select_n3A_149 masked %reduce_sum3A_151 : vector<16xi32>, vector<16xi1> -> vector<16xi32>
      %reduce_sum3A_153 = vector.extract %reduce_sum3A_152[15] : i32 from vector<16xi32>
      %mul3A_154 = arith.constant 16 : i32
      %mul3A_155 = arith.muli %add3A_16, %mul3A_154 : i32
      %add3A_156 = arith.constant 5 : i32
      %add3A_157 = arith.addi %mul3A_155, %add3A_156 : i32
      %dma_start3A_158 = arith.constant 0 : i32
      %dma_start3A_159 = tpu.memref_slice %arg6[%add3A_157, %dma_start3A_158] : memref<512x64xf32, #tpu.memory_space<vmem>> -> memref<1x64xf32, #tpu.memory_space<vmem>>
      %dma_start3A_160 = tpu.memref_squeeze %dma_start3A_159 : memref<1x64xf32, #tpu.memory_space<vmem>> -> memref<64xf32, #tpu.memory_space<vmem>>
      %dma_start3A_161 = arith.constant 0 : i32
      %dma_start3A_162 = tpu.memref_slice %arg3[%reduce_sum3A_153, %dma_start3A_161] : memref<1000000x64xf32, #tpu.memory_space<hbm>> -> memref<1x64xf32, #tpu.memory_space<hbm>>
      %dma_start3A_163 = tpu.memref_squeeze %dma_start3A_162 : memref<1x64xf32, #tpu.memory_space<hbm>> -> memref<64xf32, #tpu.memory_space<hbm>>
      %dma_start3A_164 = arith.constant 0 : i32
      %dma_start3A_165 = tpu.memref_slice %arg6[%add3A_157, %dma_start3A_164] : memref<512x64xf32, #tpu.memory_space<vmem>> -> memref<1x64xf32, #tpu.memory_space<vmem>>
      %dma_start3A_166 = tpu.memref_squeeze %dma_start3A_165 : memref<1x64xf32, #tpu.memory_space<vmem>> -> memref<64xf32, #tpu.memory_space<vmem>>
      %dma_start3A_167 = arith.constant 0 : i32
      %dma_start3A_168 = tpu.memref_slice %arg3[%reduce_sum3A_153, %dma_start3A_167] : memref<1000000x64xf32, #tpu.memory_space<hbm>> -> memref<1x64xf32, #tpu.memory_space<hbm>>
      %dma_start3A_169 = tpu.memref_squeeze %dma_start3A_168 : memref<1x64xf32, #tpu.memory_space<hbm>> -> memref<64xf32, #tpu.memory_space<hbm>>
      tpu.enqueue_dma source(%dma_start3A_169 : memref<64xf32, #tpu.memory_space<hbm>>) target(%dma_start3A_166 : memref<64xf32, #tpu.memory_space<vmem>>) target_semaphore(%arg7 : memref<!tpu.dma_semaphore, #tpu.memory_space<semaphore_mem>>)
      %eq3A_170 = arith.constant 6 : i32
      %eq3A_171 = vector.broadcast %eq3A_170 : i32 to vector<16xi32>
      %eq3A_172 = arith.cmpi eq, %iota3A, %eq3A_171 : vector<16xi32>
      %jit3A_173 = arith.constant 0 : i32
      %broadcast_in_dim3A_174 = vector.broadcast %jit3A_173 : i32 to vector<16xi32>
      %select_n3A_175 = arith.select %eq3A_172, %get3A_19, %broadcast_in_dim3A_174 : vector<16xi1>, vector<16xi32>
      %reduce_sum3A_176 = arith.constant true
      %reduce_sum3A_177 = vector.broadcast %reduce_sum3A_176 : i1 to vector<16xi1>
      %reduce_sum3A_178 = tpu.scan <sum>, %select_n3A_175 masked %reduce_sum3A_177 : vector<16xi32>, vector<16xi1> -> vector<16xi32>
      %reduce_sum3A_179 = vector.extract %reduce_sum3A_178[15] : i32 from vector<16xi32>
      %mul3A_180 = arith.constant 16 : i32
      %mul3A_181 = arith.muli %add3A_16, %mul3A_180 : i32
      %add3A_182 = arith.constant 6 : i32
      %add3A_183 = arith.addi %mul3A_181, %add3A_182 : i32
      %dma_start3A_184 = arith.constant 0 : i32
      %dma_start3A_185 = tpu.memref_slice %arg6[%add3A_183, %dma_start3A_184] : memref<512x64xf32, #tpu.memory_space<vmem>> -> memref<1x64xf32, #tpu.memory_space<vmem>>
      %dma_start3A_186 = tpu.memref_squeeze %dma_start3A_185 : memref<1x64xf32, #tpu.memory_space<vmem>> -> memref<64xf32, #tpu.memory_space<vmem>>
      %dma_start3A_187 = arith.constant 0 : i32
      %dma_start3A_188 = tpu.memref_slice %arg3[%reduce_sum3A_179, %dma_start3A_187] : memref<1000000x64xf32, #tpu.memory_space<hbm>> -> memref<1x64xf32, #tpu.memory_space<hbm>>
      %dma_start3A_189 = tpu.memref_squeeze %dma_start3A_188 : memref<1x64xf32, #tpu.memory_space<hbm>> -> memref<64xf32, #tpu.memory_space<hbm>>
      %dma_start3A_190 = arith.constant 0 : i32
      %dma_start3A_191 = tpu.memref_slice %arg6[%add3A_183, %dma_start3A_190] : memref<512x64xf32, #tpu.memory_space<vmem>> -> memref<1x64xf32, #tpu.memory_space<vmem>>
      %dma_start3A_192 = tpu.memref_squeeze %dma_start3A_191 : memref<1x64xf32, #tpu.memory_space<vmem>> -> memref<64xf32, #tpu.memory_space<vmem>>
      %dma_start3A_193 = arith.constant 0 : i32
      %dma_start3A_194 = tpu.memref_slice %arg3[%reduce_sum3A_179, %dma_start3A_193] : memref<1000000x64xf32, #tpu.memory_space<hbm>> -> memref<1x64xf32, #tpu.memory_space<hbm>>
      %dma_start3A_195 = tpu.memref_squeeze %dma_start3A_194 : memref<1x64xf32, #tpu.memory_space<hbm>> -> memref<64xf32, #tpu.memory_space<hbm>>
      tpu.enqueue_dma source(%dma_start3A_195 : memref<64xf32, #tpu.memory_space<hbm>>) target(%dma_start3A_192 : memref<64xf32, #tpu.memory_space<vmem>>) target_semaphore(%arg7 : memref<!tpu.dma_semaphore, #tpu.memory_space<semaphore_mem>>)
      %eq3A_196 = arith.constant 7 : i32
      %eq3A_197 = vector.broadcast %eq3A_196 : i32 to vector<16xi32>
      %eq3A_198 = arith.cmpi eq, %iota3A, %eq3A_197 : vector<16xi32>
      %jit3A_199 = arith.constant 0 : i32
      %broadcast_in_dim3A_200 = vector.broadcast %jit3A_199 : i32 to vector<16xi32>
      %select_n3A_201 = arith.select %eq3A_198, %get3A_19, %broadcast_in_dim3A_200 : vector<16xi1>, vector<16xi32>
      %reduce_sum3A_202 = arith.constant true
      %reduce_sum3A_203 = vector.broadcast %reduce_sum3A_202 : i1 to vector<16xi1>
      %reduce_sum3A_204 = tpu.scan <sum>, %select_n3A_201 masked %reduce_sum3A_203 : vector<16xi32>, vector<16xi1> -> vector<16xi32>
      %reduce_sum3A_205 = vector.extract %reduce_sum3A_204[15] : i32 from vector<16xi32>
      %mul3A_206 = arith.constant 16 : i32
      %mul3A_207 = arith.muli %add3A_16, %mul3A_206 : i32
      %add3A_208 = arith.constant 7 : i32
      %add3A_209 = arith.addi %mul3A_207, %add3A_208 : i32
      %dma_start3A_210 = arith.constant 0 : i32
      %dma_start3A_211 = tpu.memref_slice %arg6[%add3A_209, %dma_start3A_210] : memref<512x64xf32, #tpu.memory_space<vmem>> -> memref<1x64xf32, #tpu.memory_space<vmem>>
      %dma_start3A_212 = tpu.memref_squeeze %dma_start3A_211 : memref<1x64xf32, #tpu.memory_space<vmem>> -> memref<64xf32, #tpu.memory_space<vmem>>
      %dma_start3A_213 = arith.constant 0 : i32
      %dma_start3A_214 = tpu.memref_slice %arg3[%reduce_sum3A_205, %dma_start3A_213] : memref<1000000x64xf32, #tpu.memory_space<hbm>> -> memref<1x64xf32, #tpu.memory_space<hbm>>
      %dma_start3A_215 = tpu.memref_squeeze %dma_start3A_214 : memref<1x64xf32, #tpu.memory_space<hbm>> -> memref<64xf32, #tpu.memory_space<hbm>>
      %dma_start3A_216 = arith.constant 0 : i32
      %dma_start3A_217 = tpu.memref_slice %arg6[%add3A_209, %dma_start3A_216] : memref<512x64xf32, #tpu.memory_space<vmem>> -> memref<1x64xf32, #tpu.memory_space<vmem>>
      %dma_start3A_218 = tpu.memref_squeeze %dma_start3A_217 : memref<1x64xf32, #tpu.memory_space<vmem>> -> memref<64xf32, #tpu.memory_space<vmem>>
      %dma_start3A_219 = arith.constant 0 : i32
      %dma_start3A_220 = tpu.memref_slice %arg3[%reduce_sum3A_205, %dma_start3A_219] : memref<1000000x64xf32, #tpu.memory_space<hbm>> -> memref<1x64xf32, #tpu.memory_space<hbm>>
      %dma_start3A_221 = tpu.memref_squeeze %dma_start3A_220 : memref<1x64xf32, #tpu.memory_space<hbm>> -> memref<64xf32, #tpu.memory_space<hbm>>
      tpu.enqueue_dma source(%dma_start3A_221 : memref<64xf32, #tpu.memory_space<hbm>>) target(%dma_start3A_218 : memref<64xf32, #tpu.memory_space<vmem>>) target_semaphore(%arg7 : memref<!tpu.dma_semaphore, #tpu.memory_space<semaphore_mem>>)
      %eq3A_222 = arith.constant 8 : i32
      %eq3A_223 = vector.broadcast %eq3A_222 : i32 to vector<16xi32>
      %eq3A_224 = arith.cmpi eq, %iota3A, %eq3A_223 : vector<16xi32>
      %jit3A_225 = arith.constant 0 : i32
      %broadcast_in_dim3A_226 = vector.broadcast %jit3A_225 : i32 to vector<16xi32>
      %select_n3A_227 = arith.select %eq3A_224, %get3A_19, %broadcast_in_dim3A_226 : vector<16xi1>, vector<16xi32>
      %reduce_sum3A_228 = arith.constant true
      %reduce_sum3A_229 = vector.broadcast %reduce_sum3A_228 : i1 to vector<16xi1>
      %reduce_sum3A_230 = tpu.scan <sum>, %select_n3A_227 masked %reduce_sum3A_229 : vector<16xi32>, vector<16xi1> -> vector<16xi32>
      %reduce_sum3A_231 = vector.extract %reduce_sum3A_230[15] : i32 from vector<16xi32>
      %mul3A_232 = arith.constant 16 : i32
      %mul3A_233 = arith.muli %add3A_16, %mul3A_232 : i32
      %add3A_234 = arith.constant 8 : i32
      %add3A_235 = arith.addi %mul3A_233, %add3A_234 : i32
      %dma_start3A_236 = arith.constant 0 : i32
      %dma_start3A_237 = tpu.memref_slice %arg6[%add3A_235, %dma_start3A_236] : memref<512x64xf32, #tpu.memory_space<vmem>> -> memref<1x64xf32, #tpu.memory_space<vmem>>
      %dma_start3A_238 = tpu.memref_squeeze %dma_start3A_237 : memref<1x64xf32, #tpu.memory_space<vmem>> -> memref<64xf32, #tpu.memory_space<vmem>>
      %dma_start3A_239 = arith.constant 0 : i32
      %dma_start3A_240 = tpu.memref_slice %arg3[%reduce_sum3A_231, %dma_start3A_239] : memref<1000000x64xf32, #tpu.memory_space<hbm>> -> memref<1x64xf32, #tpu.memory_space<hbm>>
      %dma_start3A_241 = tpu.memref_squeeze %dma_start3A_240 : memref<1x64xf32, #tpu.memory_space<hbm>> -> memref<64xf32, #tpu.memory_space<hbm>>
      %dma_start3A_242 = arith.constant 0 : i32
      %dma_start3A_243 = tpu.memref_slice %arg6[%add3A_235, %dma_start3A_242] : memref<512x64xf32, #tpu.memory_space<vmem>> -> memref<1x64xf32, #tpu.memory_space<vmem>>
      %dma_start3A_244 = tpu.memref_squeeze %dma_start3A_243 : memref<1x64xf32, #tpu.memory_space<vmem>> -> memref<64xf32, #tpu.memory_space<vmem>>
      %dma_start3A_245 = arith.constant 0 : i32
      %dma_start3A_246 = tpu.memref_slice %arg3[%reduce_sum3A_231, %dma_start3A_245] : memref<1000000x64xf32, #tpu.memory_space<hbm>> -> memref<1x64xf32, #tpu.memory_space<hbm>>
      %dma_start3A_247 = tpu.memref_squeeze %dma_start3A_246 : memref<1x64xf32, #tpu.memory_space<hbm>> -> memref<64xf32, #tpu.memory_space<hbm>>
      tpu.enqueue_dma source(%dma_start3A_247 : memref<64xf32, #tpu.memory_space<hbm>>) target(%dma_start3A_244 : memref<64xf32, #tpu.memory_space<vmem>>) target_semaphore(%arg7 : memref<!tpu.dma_semaphore, #tpu.memory_space<semaphore_mem>>)
      %eq3A_248 = arith.constant 9 : i32
      %eq3A_249 = vector.broadcast %eq3A_248 : i32 to vector<16xi32>
      %eq3A_250 = arith.cmpi eq, %iota3A, %eq3A_249 : vector<16xi32>
      %jit3A_251 = arith.constant 0 : i32
      %broadcast_in_dim3A_252 = vector.broadcast %jit3A_251 : i32 to vector<16xi32>
      %select_n3A_253 = arith.select %eq3A_250, %get3A_19, %broadcast_in_dim3A_252 : vector<16xi1>, vector<16xi32>
      %reduce_sum3A_254 = arith.constant true
      %reduce_sum3A_255 = vector.broadcast %reduce_sum3A_254 : i1 to vector<16xi1>
      %reduce_sum3A_256 = tpu.scan <sum>, %select_n3A_253 masked %reduce_sum3A_255 : vector<16xi32>, vector<16xi1> -> vector<16xi32>
      %reduce_sum3A_257 = vector.extract %reduce_sum3A_256[15] : i32 from vector<16xi32>
      %mul3A_258 = arith.constant 16 : i32
      %mul3A_259 = arith.muli %add3A_16, %mul3A_258 : i32
      %add3A_260 = arith.constant 9 : i32
      %add3A_261 = arith.addi %mul3A_259, %add3A_260 : i32
      %dma_start3A_262 = arith.constant 0 : i32
      %dma_start3A_263 = tpu.memref_slice %arg6[%add3A_261, %dma_start3A_262] : memref<512x64xf32, #tpu.memory_space<vmem>> -> memref<1x64xf32, #tpu.memory_space<vmem>>
      %dma_start3A_264 = tpu.memref_squeeze %dma_start3A_263 : memref<1x64xf32, #tpu.memory_space<vmem>> -> memref<64xf32, #tpu.memory_space<vmem>>
      %dma_start3A_265 = arith.constant 0 : i32
      %dma_start3A_266 = tpu.memref_slice %arg3[%reduce_sum3A_257, %dma_start3A_265] : memref<1000000x64xf32, #tpu.memory_space<hbm>> -> memref<1x64xf32, #tpu.memory_space<hbm>>
      %dma_start3A_267 = tpu.memref_squeeze %dma_start3A_266 : memref<1x64xf32, #tpu.memory_space<hbm>> -> memref<64xf32, #tpu.memory_space<hbm>>
      %dma_start3A_268 = arith.constant 0 : i32
      %dma_start3A_269 = tpu.memref_slice %arg6[%add3A_261, %dma_start3A_268] : memref<512x64xf32, #tpu.memory_space<vmem>> -> memref<1x64xf32, #tpu.memory_space<vmem>>
      %dma_start3A_270 = tpu.memref_squeeze %dma_start3A_269 : memref<1x64xf32, #tpu.memory_space<vmem>> -> memref<64xf32, #tpu.memory_space<vmem>>
      %dma_start3A_271 = arith.constant 0 : i32
      %dma_start3A_272 = tpu.memref_slice %arg3[%reduce_sum3A_257, %dma_start3A_271] : memref<1000000x64xf32, #tpu.memory_space<hbm>> -> memref<1x64xf32, #tpu.memory_space<hbm>>
      %dma_start3A_273 = tpu.memref_squeeze %dma_start3A_272 : memref<1x64xf32, #tpu.memory_space<hbm>> -> memref<64xf32, #tpu.memory_space<hbm>>
      tpu.enqueue_dma source(%dma_start3A_273 : memref<64xf32, #tpu.memory_space<hbm>>) target(%dma_start3A_270 : memref<64xf32, #tpu.memory_space<vmem>>) target_semaphore(%arg7 : memref<!tpu.dma_semaphore, #tpu.memory_space<semaphore_mem>>)
      %eq3A_274 = arith.constant 10 : i32
      %eq3A_275 = vector.broadcast %eq3A_274 : i32 to vector<16xi32>
      %eq3A_276 = arith.cmpi eq, %iota3A, %eq3A_275 : vector<16xi32>
      %jit3A_277 = arith.constant 0 : i32
      %broadcast_in_dim3A_278 = vector.broadcast %jit3A_277 : i32 to vector<16xi32>
      %select_n3A_279 = arith.select %eq3A_276, %get3A_19, %broadcast_in_dim3A_278 : vector<16xi1>, vector<16xi32>
      %reduce_sum3A_280 = arith.constant true
      %reduce_sum3A_281 = vector.broadcast %reduce_sum3A_280 : i1 to vector<16xi1>
      %reduce_sum3A_282 = tpu.scan <sum>, %select_n3A_279 masked %reduce_sum3A_281 : vector<16xi32>, vector<16xi1> -> vector<16xi32>
      %reduce_sum3A_283 = vector.extract %reduce_sum3A_282[15] : i32 from vector<16xi32>
      %mul3A_284 = arith.constant 16 : i32
      %mul3A_285 = arith.muli %add3A_16, %mul3A_284 : i32
      %add3A_286 = arith.constant 10 : i32
      %add3A_287 = arith.addi %mul3A_285, %add3A_286 : i32
      %dma_start3A_288 = arith.constant 0 : i32
      %dma_start3A_289 = tpu.memref_slice %arg6[%add3A_287, %dma_start3A_288] : memref<512x64xf32, #tpu.memory_space<vmem>> -> memref<1x64xf32, #tpu.memory_space<vmem>>
      %dma_start3A_290 = tpu.memref_squeeze %dma_start3A_289 : memref<1x64xf32, #tpu.memory_space<vmem>> -> memref<64xf32, #tpu.memory_space<vmem>>
      %dma_start3A_291 = arith.constant 0 : i32
      %dma_start3A_292 = tpu.memref_slice %arg3[%reduce_sum3A_283, %dma_start3A_291] : memref<1000000x64xf32, #tpu.memory_space<hbm>> -> memref<1x64xf32, #tpu.memory_space<hbm>>
      %dma_start3A_293 = tpu.memref_squeeze %dma_start3A_292 : memref<1x64xf32, #tpu.memory_space<hbm>> -> memref<64xf32, #tpu.memory_space<hbm>>
      %dma_start3A_294 = arith.constant 0 : i32
      %dma_start3A_295 = tpu.memref_slice %arg6[%add3A_287, %dma_start3A_294] : memref<512x64xf32, #tpu.memory_space<vmem>> -> memref<1x64xf32, #tpu.memory_space<vmem>>
      %dma_start3A_296 = tpu.memref_squeeze %dma_start3A_295 : memref<1x64xf32, #tpu.memory_space<vmem>> -> memref<64xf32, #tpu.memory_space<vmem>>
      %dma_start3A_297 = arith.constant 0 : i32
      %dma_start3A_298 = tpu.memref_slice %arg3[%reduce_sum3A_283, %dma_start3A_297] : memref<1000000x64xf32, #tpu.memory_space<hbm>> -> memref<1x64xf32, #tpu.memory_space<hbm>>
      %dma_start3A_299 = tpu.memref_squeeze %dma_start3A_298 : memref<1x64xf32, #tpu.memory_space<hbm>> -> memref<64xf32, #tpu.memory_space<hbm>>
      tpu.enqueue_dma source(%dma_start3A_299 : memref<64xf32, #tpu.memory_space<hbm>>) target(%dma_start3A_296 : memref<64xf32, #tpu.memory_space<vmem>>) target_semaphore(%arg7 : memref<!tpu.dma_semaphore, #tpu.memory_space<semaphore_mem>>)
      %eq3A_300 = arith.constant 11 : i32
      %eq3A_301 = vector.broadcast %eq3A_300 : i32 to vector<16xi32>
      %eq3A_302 = arith.cmpi eq, %iota3A, %eq3A_301 : vector<16xi32>
      %jit3A_303 = arith.constant 0 : i32
      %broadcast_in_dim3A_304 = vector.broadcast %jit3A_303 : i32 to vector<16xi32>
      %select_n3A_305 = arith.select %eq3A_302, %get3A_19, %broadcast_in_dim3A_304 : vector<16xi1>, vector<16xi32>
      %reduce_sum3A_306 = arith.constant true
      %reduce_sum3A_307 = vector.broadcast %reduce_sum3A_306 : i1 to vector<16xi1>
      %reduce_sum3A_308 = tpu.scan <sum>, %select_n3A_305 masked %reduce_sum3A_307 : vector<16xi32>, vector<16xi1> -> vector<16xi32>
      %reduce_sum3A_309 = vector.extract %reduce_sum3A_308[15] : i32 from vector<16xi32>
      %mul3A_310 = arith.constant 16 : i32
      %mul3A_311 = arith.muli %add3A_16, %mul3A_310 : i32
      %add3A_312 = arith.constant 11 : i32
      %add3A_313 = arith.addi %mul3A_311, %add3A_312 : i32
      %dma_start3A_314 = arith.constant 0 : i32
      %dma_start3A_315 = tpu.memref_slice %arg6[%add3A_313, %dma_start3A_314] : memref<512x64xf32, #tpu.memory_space<vmem>> -> memref<1x64xf32, #tpu.memory_space<vmem>>
      %dma_start3A_316 = tpu.memref_squeeze %dma_start3A_315 : memref<1x64xf32, #tpu.memory_space<vmem>> -> memref<64xf32, #tpu.memory_space<vmem>>
      %dma_start3A_317 = arith.constant 0 : i32
      %dma_start3A_318 = tpu.memref_slice %arg3[%reduce_sum3A_309, %dma_start3A_317] : memref<1000000x64xf32, #tpu.memory_space<hbm>> -> memref<1x64xf32, #tpu.memory_space<hbm>>
      %dma_start3A_319 = tpu.memref_squeeze %dma_start3A_318 : memref<1x64xf32, #tpu.memory_space<hbm>> -> memref<64xf32, #tpu.memory_space<hbm>>
      %dma_start3A_320 = arith.constant 0 : i32
      %dma_start3A_321 = tpu.memref_slice %arg6[%add3A_313, %dma_start3A_320] : memref<512x64xf32, #tpu.memory_space<vmem>> -> memref<1x64xf32, #tpu.memory_space<vmem>>
      %dma_start3A_322 = tpu.memref_squeeze %dma_start3A_321 : memref<1x64xf32, #tpu.memory_space<vmem>> -> memref<64xf32, #tpu.memory_space<vmem>>
      %dma_start3A_323 = arith.constant 0 : i32
      %dma_start3A_324 = tpu.memref_slice %arg3[%reduce_sum3A_309, %dma_start3A_323] : memref<1000000x64xf32, #tpu.memory_space<hbm>> -> memref<1x64xf32, #tpu.memory_space<hbm>>
      %dma_start3A_325 = tpu.memref_squeeze %dma_start3A_324 : memref<1x64xf32, #tpu.memory_space<hbm>> -> memref<64xf32, #tpu.memory_space<hbm>>
      tpu.enqueue_dma source(%dma_start3A_325 : memref<64xf32, #tpu.memory_space<hbm>>) target(%dma_start3A_322 : memref<64xf32, #tpu.memory_space<vmem>>) target_semaphore(%arg7 : memref<!tpu.dma_semaphore, #tpu.memory_space<semaphore_mem>>)
      %eq3A_326 = arith.constant 12 : i32
      %eq3A_327 = vector.broadcast %eq3A_326 : i32 to vector<16xi32>
      %eq3A_328 = arith.cmpi eq, %iota3A, %eq3A_327 : vector<16xi32>
      %jit3A_329 = arith.constant 0 : i32
      %broadcast_in_dim3A_330 = vector.broadcast %jit3A_329 : i32 to vector<16xi32>
      %select_n3A_331 = arith.select %eq3A_328, %get3A_19, %broadcast_in_dim3A_330 : vector<16xi1>, vector<16xi32>
      %reduce_sum3A_332 = arith.constant true
      %reduce_sum3A_333 = vector.broadcast %reduce_sum3A_332 : i1 to vector<16xi1>
      %reduce_sum3A_334 = tpu.scan <sum>, %select_n3A_331 masked %reduce_sum3A_333 : vector<16xi32>, vector<16xi1> -> vector<16xi32>
      %reduce_sum3A_335 = vector.extract %reduce_sum3A_334[15] : i32 from vector<16xi32>
      %mul3A_336 = arith.constant 16 : i32
      %mul3A_337 = arith.muli %add3A_16, %mul3A_336 : i32
      %add3A_338 = arith.constant 12 : i32
      %add3A_339 = arith.addi %mul3A_337, %add3A_338 : i32
      %dma_start3A_340 = arith.constant 0 : i32
      %dma_start3A_341 = tpu.memref_slice %arg6[%add3A_339, %dma_start3A_340] : memref<512x64xf32, #tpu.memory_space<vmem>> -> memref<1x64xf32, #tpu.memory_space<vmem>>
      %dma_start3A_342 = tpu.memref_squeeze %dma_start3A_341 : memref<1x64xf32, #tpu.memory_space<vmem>> -> memref<64xf32, #tpu.memory_space<vmem>>
      %dma_start3A_343 = arith.constant 0 : i32
      %dma_start3A_344 = tpu.memref_slice %arg3[%reduce_sum3A_335, %dma_start3A_343] : memref<1000000x64xf32, #tpu.memory_space<hbm>> -> memref<1x64xf32, #tpu.memory_space<hbm>>
      %dma_start3A_345 = tpu.memref_squeeze %dma_start3A_344 : memref<1x64xf32, #tpu.memory_space<hbm>> -> memref<64xf32, #tpu.memory_space<hbm>>
      %dma_start3A_346 = arith.constant 0 : i32
      %dma_start3A_347 = tpu.memref_slice %arg6[%add3A_339, %dma_start3A_346] : memref<512x64xf32, #tpu.memory_space<vmem>> -> memref<1x64xf32, #tpu.memory_space<vmem>>
      %dma_start3A_348 = tpu.memref_squeeze %dma_start3A_347 : memref<1x64xf32, #tpu.memory_space<vmem>> -> memref<64xf32, #tpu.memory_space<vmem>>
      %dma_start3A_349 = arith.constant 0 : i32
      %dma_start3A_350 = tpu.memref_slice %arg3[%reduce_sum3A_335, %dma_start3A_349] : memref<1000000x64xf32, #tpu.memory_space<hbm>> -> memref<1x64xf32, #tpu.memory_space<hbm>>
      %dma_start3A_351 = tpu.memref_squeeze %dma_start3A_350 : memref<1x64xf32, #tpu.memory_space<hbm>> -> memref<64xf32, #tpu.memory_space<hbm>>
      tpu.enqueue_dma source(%dma_start3A_351 : memref<64xf32, #tpu.memory_space<hbm>>) target(%dma_start3A_348 : memref<64xf32, #tpu.memory_space<vmem>>) target_semaphore(%arg7 : memref<!tpu.dma_semaphore, #tpu.memory_space<semaphore_mem>>)
      %eq3A_352 = arith.constant 13 : i32
      %eq3A_353 = vector.broadcast %eq3A_352 : i32 to vector<16xi32>
      %eq3A_354 = arith.cmpi eq, %iota3A, %eq3A_353 : vector<16xi32>
      %jit3A_355 = arith.constant 0 : i32
      %broadcast_in_dim3A_356 = vector.broadcast %jit3A_355 : i32 to vector<16xi32>
      %select_n3A_357 = arith.select %eq3A_354, %get3A_19, %broadcast_in_dim3A_356 : vector<16xi1>, vector<16xi32>
      %reduce_sum3A_358 = arith.constant true
      %reduce_sum3A_359 = vector.broadcast %reduce_sum3A_358 : i1 to vector<16xi1>
      %reduce_sum3A_360 = tpu.scan <sum>, %select_n3A_357 masked %reduce_sum3A_359 : vector<16xi32>, vector<16xi1> -> vector<16xi32>
      %reduce_sum3A_361 = vector.extract %reduce_sum3A_360[15] : i32 from vector<16xi32>
      %mul3A_362 = arith.constant 16 : i32
      %mul3A_363 = arith.muli %add3A_16, %mul3A_362 : i32
      %add3A_364 = arith.constant 13 : i32
      %add3A_365 = arith.addi %mul3A_363, %add3A_364 : i32
      %dma_start3A_366 = arith.constant 0 : i32
      %dma_start3A_367 = tpu.memref_slice %arg6[%add3A_365, %dma_start3A_366] : memref<512x64xf32, #tpu.memory_space<vmem>> -> memref<1x64xf32, #tpu.memory_space<vmem>>
      %dma_start3A_368 = tpu.memref_squeeze %dma_start3A_367 : memref<1x64xf32, #tpu.memory_space<vmem>> -> memref<64xf32, #tpu.memory_space<vmem>>
      %dma_start3A_369 = arith.constant 0 : i32
      %dma_start3A_370 = tpu.memref_slice %arg3[%reduce_sum3A_361, %dma_start3A_369] : memref<1000000x64xf32, #tpu.memory_space<hbm>> -> memref<1x64xf32, #tpu.memory_space<hbm>>
      %dma_start3A_371 = tpu.memref_squeeze %dma_start3A_370 : memref<1x64xf32, #tpu.memory_space<hbm>> -> memref<64xf32, #tpu.memory_space<hbm>>
      %dma_start3A_372 = arith.constant 0 : i32
      %dma_start3A_373 = tpu.memref_slice %arg6[%add3A_365, %dma_start3A_372] : memref<512x64xf32, #tpu.memory_space<vmem>> -> memref<1x64xf32, #tpu.memory_space<vmem>>
      %dma_start3A_374 = tpu.memref_squeeze %dma_start3A_373 : memref<1x64xf32, #tpu.memory_space<vmem>> -> memref<64xf32, #tpu.memory_space<vmem>>
      %dma_start3A_375 = arith.constant 0 : i32
      %dma_start3A_376 = tpu.memref_slice %arg3[%reduce_sum3A_361, %dma_start3A_375] : memref<1000000x64xf32, #tpu.memory_space<hbm>> -> memref<1x64xf32, #tpu.memory_space<hbm>>
      %dma_start3A_377 = tpu.memref_squeeze %dma_start3A_376 : memref<1x64xf32, #tpu.memory_space<hbm>> -> memref<64xf32, #tpu.memory_space<hbm>>
      tpu.enqueue_dma source(%dma_start3A_377 : memref<64xf32, #tpu.memory_space<hbm>>) target(%dma_start3A_374 : memref<64xf32, #tpu.memory_space<vmem>>) target_semaphore(%arg7 : memref<!tpu.dma_semaphore, #tpu.memory_space<semaphore_mem>>)
      %eq3A_378 = arith.constant 14 : i32
      %eq3A_379 = vector.broadcast %eq3A_378 : i32 to vector<16xi32>
      %eq3A_380 = arith.cmpi eq, %iota3A, %eq3A_379 : vector<16xi32>
      %jit3A_381 = arith.constant 0 : i32
      %broadcast_in_dim3A_382 = vector.broadcast %jit3A_381 : i32 to vector<16xi32>
      %select_n3A_383 = arith.select %eq3A_380, %get3A_19, %broadcast_in_dim3A_382 : vector<16xi1>, vector<16xi32>
      %reduce_sum3A_384 = arith.constant true
      %reduce_sum3A_385 = vector.broadcast %reduce_sum3A_384 : i1 to vector<16xi1>
      %reduce_sum3A_386 = tpu.scan <sum>, %select_n3A_383 masked %reduce_sum3A_385 : vector<16xi32>, vector<16xi1> -> vector<16xi32>
      %reduce_sum3A_387 = vector.extract %reduce_sum3A_386[15] : i32 from vector<16xi32>
      %mul3A_388 = arith.constant 16 : i32
      %mul3A_389 = arith.muli %add3A_16, %mul3A_388 : i32
      %add3A_390 = arith.constant 14 : i32
      %add3A_391 = arith.addi %mul3A_389, %add3A_390 : i32
      %dma_start3A_392 = arith.constant 0 : i32
      %dma_start3A_393 = tpu.memref_slice %arg6[%add3A_391, %dma_start3A_392] : memref<512x64xf32, #tpu.memory_space<vmem>> -> memref<1x64xf32, #tpu.memory_space<vmem>>
      %dma_start3A_394 = tpu.memref_squeeze %dma_start3A_393 : memref<1x64xf32, #tpu.memory_space<vmem>> -> memref<64xf32, #tpu.memory_space<vmem>>
      %dma_start3A_395 = arith.constant 0 : i32
      %dma_start3A_396 = tpu.memref_slice %arg3[%reduce_sum3A_387, %dma_start3A_395] : memref<1000000x64xf32, #tpu.memory_space<hbm>> -> memref<1x64xf32, #tpu.memory_space<hbm>>
      %dma_start3A_397 = tpu.memref_squeeze %dma_start3A_396 : memref<1x64xf32, #tpu.memory_space<hbm>> -> memref<64xf32, #tpu.memory_space<hbm>>
      %dma_start3A_398 = arith.constant 0 : i32
      %dma_start3A_399 = tpu.memref_slice %arg6[%add3A_391, %dma_start3A_398] : memref<512x64xf32, #tpu.memory_space<vmem>> -> memref<1x64xf32, #tpu.memory_space<vmem>>
      %dma_start3A_400 = tpu.memref_squeeze %dma_start3A_399 : memref<1x64xf32, #tpu.memory_space<vmem>> -> memref<64xf32, #tpu.memory_space<vmem>>
      %dma_start3A_401 = arith.constant 0 : i32
      %dma_start3A_402 = tpu.memref_slice %arg3[%reduce_sum3A_387, %dma_start3A_401] : memref<1000000x64xf32, #tpu.memory_space<hbm>> -> memref<1x64xf32, #tpu.memory_space<hbm>>
      %dma_start3A_403 = tpu.memref_squeeze %dma_start3A_402 : memref<1x64xf32, #tpu.memory_space<hbm>> -> memref<64xf32, #tpu.memory_space<hbm>>
      tpu.enqueue_dma source(%dma_start3A_403 : memref<64xf32, #tpu.memory_space<hbm>>) target(%dma_start3A_400 : memref<64xf32, #tpu.memory_space<vmem>>) target_semaphore(%arg7 : memref<!tpu.dma_semaphore, #tpu.memory_space<semaphore_mem>>)
      %eq3A_404 = arith.constant 15 : i32
      %eq3A_405 = vector.broadcast %eq3A_404 : i32 to vector<16xi32>
      %eq3A_406 = arith.cmpi eq, %iota3A, %eq3A_405 : vector<16xi32>
      %jit3A_407 = arith.constant 0 : i32
      %broadcast_in_dim3A_408 = vector.broadcast %jit3A_407 : i32 to vector<16xi32>
      %select_n3A_409 = arith.select %eq3A_406, %get3A_19, %broadcast_in_dim3A_408 : vector<16xi1>, vector<16xi32>
      %reduce_sum3A_410 = arith.constant true
      %reduce_sum3A_411 = vector.broadcast %reduce_sum3A_410 : i1 to vector<16xi1>
      %reduce_sum3A_412 = tpu.scan <sum>, %select_n3A_409 masked %reduce_sum3A_411 : vector<16xi32>, vector<16xi1> -> vector<16xi32>
      %reduce_sum3A_413 = vector.extract %reduce_sum3A_412[15] : i32 from vector<16xi32>
      %mul3A_414 = arith.constant 16 : i32
      %mul3A_415 = arith.muli %add3A_16, %mul3A_414 : i32
      %add3A_416 = arith.constant 15 : i32
      %add3A_417 = arith.addi %mul3A_415, %add3A_416 : i32
      %dma_start3A_418 = arith.constant 0 : i32
      %dma_start3A_419 = tpu.memref_slice %arg6[%add3A_417, %dma_start3A_418] : memref<512x64xf32, #tpu.memory_space<vmem>> -> memref<1x64xf32, #tpu.memory_space<vmem>>
      %dma_start3A_420 = tpu.memref_squeeze %dma_start3A_419 : memref<1x64xf32, #tpu.memory_space<vmem>> -> memref<64xf32, #tpu.memory_space<vmem>>
      %dma_start3A_421 = arith.constant 0 : i32
      %dma_start3A_422 = tpu.memref_slice %arg3[%reduce_sum3A_413, %dma_start3A_421] : memref<1000000x64xf32, #tpu.memory_space<hbm>> -> memref<1x64xf32, #tpu.memory_space<hbm>>
      %dma_start3A_423 = tpu.memref_squeeze %dma_start3A_422 : memref<1x64xf32, #tpu.memory_space<hbm>> -> memref<64xf32, #tpu.memory_space<hbm>>
      %dma_start3A_424 = arith.constant 0 : i32
      %dma_start3A_425 = tpu.memref_slice %arg6[%add3A_417, %dma_start3A_424] : memref<512x64xf32, #tpu.memory_space<vmem>> -> memref<1x64xf32, #tpu.memory_space<vmem>>
      %dma_start3A_426 = tpu.memref_squeeze %dma_start3A_425 : memref<1x64xf32, #tpu.memory_space<vmem>> -> memref<64xf32, #tpu.memory_space<vmem>>
      %dma_start3A_427 = arith.constant 0 : i32
      %dma_start3A_428 = tpu.memref_slice %arg3[%reduce_sum3A_413, %dma_start3A_427] : memref<1000000x64xf32, #tpu.memory_space<hbm>> -> memref<1x64xf32, #tpu.memory_space<hbm>>
      %dma_start3A_429 = tpu.memref_squeeze %dma_start3A_428 : memref<1x64xf32, #tpu.memory_space<hbm>> -> memref<64xf32, #tpu.memory_space<hbm>>
      tpu.enqueue_dma source(%dma_start3A_429 : memref<64xf32, #tpu.memory_space<hbm>>) target(%dma_start3A_426 : memref<64xf32, #tpu.memory_space<vmem>>) target_semaphore(%arg7 : memref<!tpu.dma_semaphore, #tpu.memory_space<semaphore_mem>>)
    }
    %scan3A_6 = arith.constant 32 : i32
    %dma_wait3A = arith.constant 0 : i32
    %dma_wait3A_7 = arith.constant 0 : i32
    %dma_wait3A_8 = tpu.memref_slice %arg3[%dma_wait3A, %dma_wait3A_7] : memref<1000000x64xf32, #tpu.memory_space<hbm>> -> memref<512x64xf32, #tpu.memory_space<hbm>>
    %dma_wait3A_9 = arith.constant 0 : i32
    %dma_wait3A_10 = arith.constant 0 : i32
    %dma_wait3A_11 = tpu.memref_slice %arg3[%dma_wait3A_9, %dma_wait3A_10] : memref<1000000x64xf32, #tpu.memory_space<hbm>> -> memref<512x64xf32, #tpu.memory_space<hbm>>
    tpu.wait_dma2 semaphore(%arg7 : memref<!tpu.dma_semaphore, #tpu.memory_space<semaphore_mem>>) src(%dma_wait3A_11 : memref<512x64xf32, #tpu.memory_space<hbm>>) dst(%arg6 : memref<512x64xf32, #tpu.memory_space<vmem>>)
    "tpu.region"() ({
      %run_scoped3A = tpu.sem_alloc : memref<!tpu.dma_semaphore, #tpu.memory_space<semaphore_mem>>
      %dma_start3A = arith.constant 0 : i32
      %dma_start3A_12 = tpu.memref_slice %arg4[%mul3A_2, %dma_start3A] : memref<16384x64xf32, #tpu.memory_space<hbm>> -> memref<512x64xf32, #tpu.memory_space<hbm>>
      %dma_start3A_13 = arith.constant 0 : i32
      %dma_start3A_14 = tpu.memref_slice %arg4[%mul3A_2, %dma_start3A_13] : memref<16384x64xf32, #tpu.memory_space<hbm>> -> memref<512x64xf32, #tpu.memory_space<hbm>>
      tpu.enqueue_dma source(%arg6 : memref<512x64xf32, #tpu.memory_space<vmem>>) target(%dma_start3A_14 : memref<512x64xf32, #tpu.memory_space<hbm>>) target_semaphore(%run_scoped3A : memref<!tpu.dma_semaphore, #tpu.memory_space<semaphore_mem>>)
      %dma_wait3A_15 = arith.constant 0 : i32
      %dma_wait3A_16 = tpu.memref_slice %arg4[%mul3A_2, %dma_wait3A_15] : memref<16384x64xf32, #tpu.memory_space<hbm>> -> memref<512x64xf32, #tpu.memory_space<hbm>>
      %dma_wait3A_17 = arith.constant 0 : i32
      %dma_wait3A_18 = tpu.memref_slice %arg4[%mul3A_2, %dma_wait3A_17] : memref<16384x64xf32, #tpu.memory_space<hbm>> -> memref<512x64xf32, #tpu.memory_space<hbm>>
      tpu.wait_dma2 semaphore(%run_scoped3A : memref<!tpu.dma_semaphore, #tpu.memory_space<semaphore_mem>>) src(%arg6 : memref<512x64xf32, #tpu.memory_space<vmem>>) dst(%dma_wait3A_18 : memref<512x64xf32, #tpu.memory_space<hbm>>)
      tpu.yield
    }) : () -> ()
    return
  }
}

</mosaic_0001>

<sc_bundles>
// kernel: kernel.3.cloned.1.call-start
scs
__scs_entry_jumppad:
0x0: {  	(pc) =	sbr.rel $0x88, $3  }
0x1: {  	(tag) =	ssettag $0x0;
	lr =	simm.s32 $0x1  }
0x2: {  	[smem:$0x3F9F] =	sst lr;
	_ =	strace $0xD0000000  }
0x3: {  	_ = 	snop  }
0x4: {  	_ = 	snop  }
0x5: {  	_ = 	snop  }
0x6: {  	_ = 	snop  }
0x7: {  	_ = 	snop  }
__scs_overlays_trampoline_lowered:
0x8: {  	[smem:$0x3FAE] =	sst s0  }
0x9: {  	[smem:$0x3FAF] =	sst s1  }
0xa: {  	[smem:$0x3FB0] =	sst s2  }
0xb: {  	[smem:$0x3FB1] =	sst s3  }
0xc: {  	[smem:$0x3FB2] =	sst s4  }
0xd: {  	[smem:$0x3FB3] =	sst s5  }
0xe: {  	[smem:$0x3FB4] =	sst s6  }
0xf: {  	[smem:$0x3FB5] =	sst s7  }
0x10: {  	[smem:$0x3FB6] =	sst s8  }
0x11: {  	[smem:$0x3FB7] =	sst s9;
	s0 =	simm.s32 @!p0 $0x0  }
0x12: {  	s1 =	sld [smem:$0x3F9D];
	s0 =	simm.s32 @p0 $0x1  }
0x13: {  	[smem:$0x3FB8] =	sst s0;
	s0 =	simm.s32 @!p1 $0x0  }
0x14: {  	s2 =	sld [smem:$0x3F9C];
	s0 =	simm.s32 @p1 $0x1  }
0x15: {  	[smem:$0x3FB9] =	sst s0;
	s0 =	simm.s32 @!p2 $0x0  }
0x16: {  	s3 =	sld [smem:$0x3FDB];
	s0 =	simm.s32 @p2 $0x1  }
0x17: {  	s4 =	simm.s32 $0x1BF5;
	[smem:$0x3FBB] =	sst s0  }
0x18: {  	s0 =	sld [smem:$0x3F9E];
	_ =	swait.ge [sflag:s4], $0x0  }
0x19: {  	s7 =	sld [smem:$0x3F9F]  }
0x1a: {  	s8 =	sadd.s32 $0xFFFFE003, lr  }
0x1b: {  	s9 =	sadd.s32 $0xFFFFFEF7, lr;
	s5 =	simm.s32 $0xFFFFFFFF;
	p2 =	slt.u32 s8, $0xFFFFF086  }
0x1c: {  	p1 =	slt.u32 s9, $0xF7A;
	s5 =	simm.s32 @!p2 $0x0  }
0x1d: {  	s5 =	simm.s32 @p1 $0x1;
	p0 =	seq.s32 s7, s2  }
0x1e: {  	s7 =	smul.u32 @!p0 $0xF7A, s2;
	p2 =	seq.s32 @!p0 s5, $0x0  }
0x1f: {  	s9 =	smul.u32 $0xF7A, s1;
	s8 =	simm.s32 @!p0 $0x1BF5;
	p2 =	por !p2, p0  }
0x20: {  	[sflag:s8] =	ssyncset.s32 @!p0 $0xFFFFF086;
	s6 =	sadd.s32 @!p0 s3, s7;
	s7 =	simm.s32 @!p0 $0x108  }
0x21: {  	s3 =	sadd.s32 s3, s9;
	s6 =	sadd.s32 @!p0 $0x88, s6;
	s7 =	simm.s32 @p2 $0x1082  }
0x22: {  	[simem:s7], [sflag:s8] =	dma.local @!p0 [hbm:s6], $0xF7A  }
0x23: {  	s9 =	sor.u32 $0xD0000000, s2;
	s6 =	simm.s32 $0x108;
	_ =	swait.ge @!p0 [sflag:s8], $0x0  }
0x24: {  	s3 =	sadd.s32 $0x88, s3;
	s6 =	simm.s32 @!p1 $0x1082;
	[sflag:s4] =	ssyncset.s32 $0xFFFFF086  }
0x25: {  	[simem:s6], [sflag:s4] =	dma.local [hbm:s3], $0xF7A  }
0x26: {  	[smem:$0x3F9F] =	sst s1;
	(tag) =	ssettag s2;
	_ =	strace s9  }
0x27: {  	s1 =	sld [smem:$0x3FAF]  }
0x28: {  	s2 =	sld [smem:$0x3FB0]  }
0x29: {  	s4 =	sld [smem:$0x3FB2]  }
0x2a: {  	p0 =	seq.s32 s5, $0x0;
	s5 =	sld [smem:$0x3FB3]  }
0x2b: {  	s6 =	sld [smem:$0x3FB4]  }
0x2c: {  	s7 =	sld [smem:$0x3FB5]  }
0x2d: {  	s3 =	simm.s32 $0x108;
	s8 =	sld [smem:$0x3FB6]  }
0x2e: {  	s3 =	simm.s32 @!p0 $0x1082;
	s9 =	sld [smem:$0x3FB7]  }
0x2f: {  	lr =	sadd.s32 s0, s3;
	s0 =	sld [smem:$0x3FAE]  }
0x30: {  	s3 =	sld [smem:$0x3FB1]  }
0x31: {  	[smem:$0x3FBA] =	sst s10  }
0x32: {  	s10 =	sld [smem:$0x3FB8];
	_ =	sdelay $0x3  }
0x33: {  	p0 =	seq.s32 s10, $0x1;
	s10 =	sld [smem:$0x3FBA];
	_ =	sdelay $0x3  }
0x34: {  	[smem:$0x3FBA] =	sst s10  }
0x35: {  	s10 =	sld [smem:$0x3FB9];
	_ =	sdelay $0x3  }
0x36: {  	p1 =	seq.s32 s10, $0x1;
	s10 =	sld [smem:$0x3FBA];
	_ =	sdelay $0x3  }
0x37: {  	[smem:$0x3FBA] =	sst s10  }
0x38: {  	s10 =	sld [smem:$0x3FBB]  }
0x39: {  	_ = 	snop;
	(pc) =	sbr.ind lr, $3  }
0x3a: {  	_ = 	snop  }
0x3b: {  	_ = 	snop  }
0x3c: {  	p2 =	seq.s32 s10, $0x1;
	s10 =	sld [smem:$0x3FBA]  }
0x3d: {  	_ =	shalt  }
0x3e: {  	_ =	shalt  }
0x3f: {  	_ =	shalt  }
0x40: {  	_ =	shalt  }
0x41: {  	_ =	shalt  }
0x42: {  	_ =	shalt  }
0x43: {  	_ =	shalt  }
0x44: {  	_ =	shalt  }
0x45: {  	_ =	shalt  }
0x46: {  	_ =	shalt  }
0x47: {  	_ =	shalt  }
0x48: {  	_ =	shalt  }
0x49: {  	_ =	shalt  }
0x4a: {  	_ =	shalt  }
0x4b: {  	_ =	shalt  }
0x4c: {  	_ =	shalt  }
0x4d: {  	_ =	shalt  }
0x4e: {  	_ =	shalt  }
0x4f: {  	_ =	shalt  }
0x50: {  	_ =	shalt  }
0x51: {  	_ =	shalt  }
0x52: {  	_ =	shalt  }
0x53: {  	_ =	shalt  }
0x54: {  	_ =	shalt  }
0x55: {  	_ =	shalt  }
0x56: {  	_ =	shalt  }
0x57: {  	_ =	shalt  }
0x58: {  	_ =	shalt  }
0x59: {  	_ =	shalt  }
0x5a: {  	_ =	shalt  }
0x5b: {  	_ =	shalt  }
0x5c: {  	_ =	shalt  }
0x5d: {  	_ =	shalt  }
0x5e: {  	_ =	shalt  }
0x5f: {  	_ =	shalt  }
0x60: {  	_ =	shalt  }
0x61: {  	_ =	shalt  }
0x62: {  	_ =	shalt  }
0x63: {  	_ =	shalt  }
0x64: {  	_ =	shalt  }
0x65: {  	_ =	shalt  }
0x66: {  	_ =	shalt  }
0x67: {  	_ =	shalt  }
0x68: {  	_ =	shalt  }
0x69: {  	_ =	shalt  }
0x6a: {  	_ =	shalt  }
0x6b: {  	_ =	shalt  }
0x6c: {  	_ =	shalt  }
0x6d: {  	_ =	shalt  }
0x6e: {  	_ =	shalt  }
0x6f: {  	_ =	shalt  }
0x70: {  	_ =	shalt  }
0x71: {  	_ =	shalt  }
0x72: {  	_ =	shalt  }
0x73: {  	_ =	shalt  }
0x74: {  	_ =	shalt  }
0x75: {  	_ =	shalt  }
0x76: {  	_ =	shalt  }
0x77: {  	_ =	shalt  }
0x78: {  	_ =	shalt  }
0x79: {  	_ =	shalt  }
0x7a: {  	_ =	shalt  }
0x7b: {  	_ =	shalt  }
0x7c: {  	_ =	shalt  }
0x7d: {  	_ =	shalt  }
0x7e: {  	_ =	shalt  }
0x7f: {  	_ =	shalt  }
0x80: {  	_ =	shalt  }
0x81: {  	_ =	shalt  }
0x82: {  	_ =	shalt  }
0x83: {  	_ =	shalt  }
0x84: {  	_ =	shalt  }
0x85: {  	_ =	shalt  }
0x86: {  	_ =	shalt  }
0x87: {  	_ =	shalt  }
.Lfunc_end0:
.L_simem_size_0:
called_computation_lowered:
.L_overlay_start_0:
0x88: {  	s2 =	sld [smem:$0x3FD9]  }
0x89: {  	s3 =	sld [smem:$0x3FFE];
	_ =	sdelay $0x1  }
0x8a: {  	s1 =	srdreg.scid  }
0x8b: {  	s0 =	sand.u32 $0x1, s1  }
0x8c: {  	s17 =	sshll.u32 s0, $0xA;
	s2 =	sadd.s32 s3, s2  }
0x8d: {  	s2 =	sadd.s32 s2, s17  }
0x8e: {  	[smem:$0x3FC6] =	sst s2  }
0x8f: {  	_ = 	snop  }
0x90: {  	s2 =	sld [smem:$0x3FC9];
	(tm) =	ssettm $0x1  }
0x91: {  	s18 =	sld [smem:$0x3FFB];
	_ =	sdelay $0x3  }
0x92: {  	_ =	strace s18  }
0x93: {  	s3 =	sld [smem:$0x3FFC];
	_ =	sdelay $0x3  }
0x94: {  	_ =	strace s3  }
0x95: {  	s3 =	sld [smem:$0x3FFD];
	_ =	sdelay $0x3  }
0x96: {  	_ =	strace s3  }
0x97: {  	_ =	strace $0x8FFFFFFF  }
0x98: {  	s19 =	sld [smem:$0x3FDB];
	_ =	sdelay $0x1  }
0x99: {  	s4 =	simm.s32 $_scs_section_size  }
0x9a: {  	s5 =	simm.s32 $_size__tile_overlayer_lowered;
	s6 =	simm.s32 $_tile_overlayer_lowered  }
0x9b: {  	s22 =	simm.s32 $0x1BFF;
	s21 =	sshll.u32 s6, $0x1;
	s3 =	sadd.s32 s4, s19  }
0x9c: {  	s7 =	simm.s32 $0x0;
	s20 =	sshll.u32 s5, $0x1;
	s5 =	sadd.s32 s21, s3  }
0x9d: {  	[timem:s7], [sflag:s22] =	dma.local [hbm:s5], s20  }
0x9e: {  	_ =	swait.ge [sflag:s22], s20  }
0x9f: {  	s4 =	ssub.s32 $0x0, s20;
	[sflag:s22] =	ssyncset.done $0x0  }
0xa0: {  	[sflag:s22] =	ssyncadd.s32 s4;
	_ =	sdelay $0x1  }
0xa1: {  	s23 =	simm.s32 $0x1B8B  }
0xa2: {  	_ =	swait.ge [sflag:s23], $0x1  }
0xa3: {  	[sflag:s23] =	ssyncset.done $0x0  }
0xa4: {  	s25 =	simm.s32 $0x1B8E;
	s24 =	sld [smem:$0x3FFE];
	[sflag:s23] =	ssyncadd.s32 $0xFFFFFFFF  }
0xa5: {  	s26 =	simm.s32 $execute0_lowered;
	[smem:$0x3FD2] =	sst s25  }
0xa6: {  	s5 =	sshll.u32 s26, $0x1;
	_ =	strace $0x80000046;
	[dreg:$0x1] =	wrdreg $0xFFFFFFFF  }
0xa7: {  	s28 =	simm.s32 $_size_execute0_lowered;
	s3 =	sadd.s32 s3, s5;
	[dreg:$0x0] =	wrdreg $0x0  }
0xa8: {  	s5 =	sshll.u32 s28, $0x1;
	[dreg:$0x2] =	wrdreg s3  }
0xa9: {  	[dreg:$0x3] =	wrdreg s5  }
0xaa: {  	[dreg:$0x4] =	wrdreg $0xC0  }
0xab: {  	_ =	task [dreg:s7], $0x5FFFF  }
0xac: {  	[dreg:$0x1] =	wrdreg $0xFFFFFFFF  }
0xad: {  	[dreg:$0x0] =	wrdreg $0x60  }
0xae: {  	[dreg:$0x2] =	wrdreg s2  }
0xaf: {  	[dreg:$0x3] =	wrdreg s24  }
0xb0: {  	[dreg:$0x4] =	wrdreg $0x9  }
0xb1: {  	_ =	task.clear_ibuf [dreg:s7], $0x5FFFF;
	_ =	strace $0x90000046  }
0xb2: {  	s29 =	simm.s32 $0x9;
	_ =	strace $0x80000048  }
0xb3: {  	_ =	swait.ge [sflag:s29], $0x1  }
0xb4: {  	[sflag:s29] =	ssyncadd.s32 $0xFFFFFFFF  }
0xb5: {  	_ =	strace $0x90000048  }
0xb6: {  	_ =	sfence  }
0xb7: {  	s30 =	sld [smem:$0x0];
	_ =	sdelay $0x2  }
0xb8: {  	s31 =	sshll.u32 s1, $0xD;
	s1 =	sshrl.u32 s1, $0x2  }
0xb9: {  	s3 =	sand.u32 $0x4000, s31;
	s1 =	sadd.s32 s1, s30  }
0xba: {  	s0 =	sor.u32 s3, s0;
	s1 =	sshll.u32 s1, $0x11  }
0xbb: {  	s0 =	sor.u32 s1, s0  }
0xbc: {  	s0 =	sadd.s32 $0x8F2B, s0  }
0xbd: {  	[sflag:s0] =	ssyncadd.remote.s32 $0x1  }
0xbe: {  	_ =	sfence.sel $0xFFFF  }
0xbf: {  	[dreg:$0x0] =	wrdreg $0xFFFFFFFF;
	(pc) =	sbr.abs _section_cstart, $3  }
0xc0: {  	[dreg:$0x1] =	wrdreg $0xFFFFFFFF  }
0xc1: {  	_ =	task.clear_ibuf [dreg:s7], $0x2FFFF;
	_ =	strace $0x9FFFFFFF  }
0xc2: {  	(tm) =	ssettm $0x7FFFFFFF  }
0xc3: {  	_ =	shalt  }
tec
execute0_lowered:
.L_overlay_start_1:
0x0: {  	(tag) =	ssettag $0x1  }
0x1: {  	s4 =	rddreg [dreg:$0x0]  }
0x2: {  	s5 =	rddreg [dreg:$0x1];
	s2 =	simm.s32 $0x0  }
0x3: {  	s3 =	srdreg.scid;
	s0 =	stileid.u32;
	s10 =	simm.s32 $0x0  }
0x4: {  	vm0 =	vmmov $0x1;
	[smem:$0x7FF] =	sst s2;
	s6 =	sand.u32 $0x1, s3;
	s7 =	sshll.u32 s0, $0xA  }
0x5: {  	vm1 =	vcmask $0x308;
	vm2 =	vcmask $0x70C;
	vm3 =	vcmask $0xB10;
	s3 =	sadd.s32 $0x400, s5;
	s8 =	sshll.u32 s6, $0x9;
	s6 =	ssub.s32 $0x2, s6  }
0x6: {  	vm4 =	vcmask $0xF14;
	vm5 =	vcmask $0x1318;
	vm6 =	vcmask $0x171C;
	_ =	strace $0x80000047;
	s7 =	sor.u32 s8, s7;
	s9 =	sshrl.u32 s6, $0x1  }
0x7: {  	vm7 =	vcmask $0x1B20;
	vm8 =	vcmask $0x1F24;
	vm9 =	vcmask $0x2328;
	s8 =	sshll.u32 s7, $0x4;
	s7 =	sshrl.u32 s7, $0x3;
	s6 =	ssub.s32 s6, s9  }
0x8: {  	vm10 =	vcmask $0x272C;
	vm11 =	vcmask $0x2B30;
	vm12 =	vcmask $0x2F34;
	s5 =	sadd.s32 s8, s5;
	s4 =	sadd.s32 s4, s7;
	s6 =	smax.u32 s6, $0x1  }
0x9: {  	vm13 =	vcmask $0x3338;
	vm14 =	vcmask $0x373C;
	vm15 =	vmmov $0x7fff;
	s7 =	simm.s32 $0x2;
	s8 =	simm.s32 $0x1;
	s5 =	sadd.s32 $0xF42800, s5  }
.LBB2_1:
0xa: {  	[tilespmem:s2], [sflag:$0x2] =	stream.linear.gather [hbm4b:s4+s2], $0x200, $0x38;
	[tilespmem:$0x10200] =	vst v63  }
0xb: {  	_ =	swait.ge [sflag:s7], $0x200  }
0xc: {  	[sflag:s7] =	ssyncset.done $0x0  }
0xd: {  	[sflag:s7] =	ssyncadd.s32 $0xFFFFFE00  }
0xe: {  	v0 =	vld [tilespmem:s2+$0x0];
	_ =	sdelay $0x4  }
0xf: {  	v1 =	vnsel vm0, $0x0, v0  }
0x10: {  	v2 =	vsel vm2, $0x0, v0;
	(xrf0) =	vadd.scan.msk.s32 $0xffff, v1  }
0x11: {  	v40 =	vsel vm3, $0x0, v0;
	(xrf0) =	vadd.scan.msk.s32 $0xffff, v2  }
0x12: {  	v41 =	vsel vm1, $0x0, v0;
	(xrf0) =	vadd.scan.msk.s32 $0xffff, v40  }
0x13: {  	(xrf0) =	vadd.scan.msk.s32 $0xffff, v41;
	_ =	sdelay $0x2  }
0x14: {  	v42, _, _ =	vpop (xrf0)  }
0x15: {  	v43 =	vsel vm8, $0x0, v0;
	(v2sf) =	vpush v42, $0xF;
	v44, _, _ =	vpop (xrf0)  }
0x16: {  	v3 =	vsel vm9, $0x0, v0;
	(xrf0) =	vadd.scan.msk.s32 $0xffff, v43;
	(v2sf) =	vpush v44, $0xF;
	v45, _, _ =	vpop (xrf0)  }
0x17: {  	v46 =	vsel vm5, $0x0, v0;
	(xrf0) =	vadd.scan.msk.s32 $0xffff, v3;
	v47, _, _ =	vpop (xrf0);
	(v2sf) =	vpush v45, $0xF  }
0x18: {  	v48 =	vsel vm4, $0x0, v0;
	(xrf0) =	vadd.scan.msk.s32 $0xffff, v46;
	(v2sf) =	vpush v47, $0xF  }
0x19: {  	(xrf0) =	vadd.scan.msk.s32 $0xffff, v48;
	_ =	sdelay $0x1  }
0x1a: {  	v49 =	vsel vm10, $0x0, v0  }
0x1b: {  	v50 =	vsel vm11, $0x0, v0;
	(xrf0) =	vadd.scan.msk.s32 $0xffff, v49;
	v51, _, _ =	vpop (xrf0)  }
0x1c: {  	v52 =	vsel vm12, $0x0, v0;
	(xrf0) =	vadd.scan.msk.s32 $0xffff, v50;
	v53, _, _ =	vpop (xrf0)  }
0x1d: {  	v4 =	vsel vm13, $0x0, v0;
	(xrf0) =	vadd.scan.msk.s32 $0xffff, v52;
	(v2sf) =	vpush v51, $0xF;
	v54, _, _ =	vpop (xrf0)  }
0x1e: {  	v55 =	vsel vm14, $0x0, v0;
	(xrf0) =	vadd.scan.msk.s32 $0xffff, v4;
	v56, _, _ =	vpop (xrf0)  }
0x1f: {  	v5 =	vsel vm6, $0x0, v0;
	(xrf0) =	vadd.scan.msk.s32 $0xffff, v55;
	(v2sf) =	vpush v56, $0xF  }
0x20: {  	v57 =	vsel vm7, $0x0, v0;
	(xrf0) =	vadd.scan.msk.s32 $0xffff, v5  }
0x21: {  	s11 =	simm.s32 $0x2000;
	s12 =	simm.s32 $0x0;
	s20 =	simm.s32 $0x300;
	(xrf0) =	vadd.scan.msk.s32 $0xffff, v57;
	v58, _, _ =	vpop (xrf0);
	(v2sf) =	vpush v54, $0xF  }
0x22: {  	s21 =	simm.s32 $0x400;
	s16 =	simm.s32 $0x580;
	s13 =	simm.s32 $0x200;
	v59, _, _ =	vpop (xrf0)  }
0x23: {  	s22 =	simm.s32 $0x280;
	s17 =	simm.s32 $0x500;
	(v2sf) =	vpush v58, $0xF;
	v60, _, _ =	vpop (xrf0);
	s14 =	spop (v2sf)  }
0x24: {  	s23 =	simm.s32 $0x480;
	v61, _, _ =	vpop (xrf0);
	s14 =	sshll.u32 s14, $0x4;
	s24 =	spop (v2sf)  }
0x25: {  	s15 =	simm.s32 $0x800;
	v62, _, _ =	vpop (xrf0);
	(v2sf) =	vpush v53, $0xF;
	s18 =	sand.u32 $0x1FFFFFF0, s14;
	s25 =	spop (v2sf)  }
0x26: {  	s19 =	simm.s32 $0x700;
	v63, _, _ =	vpop (xrf0);
	s18 =	sadd.s32 s3, s18;
	s26 =	spop (v2sf)  }
0x27: {  	v6, _, _ =	vpop (xrf0);
	(v2sf) =	vpush v63, $0xF;
	[tilespmem:s13], [sflag:$0x1] =	stream.linear.gather [hbm4b:s18+s2], $0x80, $0x38;
	[tilespmem:$0x10200] =	vst v63  }
0x28: {  	s0 =	simm.s32 $0x380;
	(v2sf) =	vpush v6, $0xF;
	s24 =	sshll.u32 s24, $0x4;
	s26 =	sshll.u32 s26, $0x4  }
0x29: {  	s14 =	simm.s32 $0x880;
	s24 =	sand.u32 $0x1FFFFFF0, s24;
	s26 =	sand.u32 $0x1FFFFFF0, s26  }
0x2a: {  	s25 =	sshll.u32 s25, $0x4;
	(v2sf) =	vpush v59, $0xF;
	s13 =	simm.s32 $0x10;
	s26 =	sadd.s32 s3, s26  }
0x2b: {  	[tilespmem:s22], [sflag:$0x1] =	stream.linear.gather [hbm4b:s26+s2], $0x80, $0x38;
	[tilespmem:$0x10200] =	vst v63  }
0x2c: {  	s25 =	sand.u32 $0x1FFFFFF0, s25;
	s24 =	sadd.s32 s3, s24;
	s30 =	spop (v2sf)  }
0x2d: {  	v0 =	vsel vm15, $0x0, v0;
	[tilespmem:s20], [sflag:$0x1] =	stream.linear.gather [hbm4b:s24+s2], $0x80, $0x38;
	[tilespmem:$0x10200] =	vst v63  }
0x2e: {  	(xrf0) =	vadd.scan.msk.s32 $0xffff, v0;
	s18 =	simm.s32 $0x780;
	(v2sf) =	vpush v60, $0xF;
	s25 =	sadd.s32 s3, s25;
	s31 =	spop (v2sf)  }
0x2f: {  	[tilespmem:s0], [sflag:$0x1] =	stream.linear.gather [hbm4b:s25+s2], $0x80, $0x38;
	[tilespmem:$0x10200] =	vst v63  }
0x30: {  	(v2sf) =	vpush v61, $0xF;
	s22 =	sshll.u32 s30, $0x4;
	s24 =	sshll.u32 s31, $0x4;
	s1 =	spop (v2sf)  }
0x31: {  	s20 =	simm.s32 $0x680;
	s24 =	sand.u32 $0x1FFFFFF0, s24;
	s25 =	sshll.u32 s1, $0x4  }
0x32: {  	s9 =	spop (v2sf);
	s25 =	sand.u32 $0x1FFFFFF0, s25;
	s24 =	sadd.s32 s3, s24  }
0x33: {  	[tilespmem:s21], [sflag:$0x1] =	stream.linear.gather [hbm4b:s24+s2], $0x80, $0x38;
	[tilespmem:$0x10200] =	vst v63  }
0x34: {  	s30 =	sshll.u32 s9, $0x4;
	s25 =	sadd.s32 s3, s25;
	s29 =	spop (v2sf);
	(v2sf) =	vpush v62, $0xF  }
0x35: {  	v0, _, _ =	vpop (xrf0);
	[tilespmem:s23], [sflag:$0x1] =	stream.linear.gather [hbm4b:s25+s2], $0x80, $0x38;
	[tilespmem:$0x10200] =	vst v63  }
0x36: {  	s24 =	simm.s32 $0x600;
	s26 =	sand.u32 $0x1FFFFFF0, s30;
	s31 =	spop (v2sf);
	(v2sf) =	vpush v0, $0xF  }
0x37: {  	s25 =	sand.u32 $0x1FFFFFF0, s22;
	s23 =	sshll.u32 s31, $0x4;
	s28 =	spop (v2sf)  }
0x38: {  	s22 =	sshll.u32 s29, $0x4;
	s21 =	sand.u32 $0x1FFFFFF0, s23;
	s28 =	sshll.u32 s28, $0x4  }
.LBB2_2:
0x39: {  	s21 =	sadd.s32 s3, s21;
	s23 =	sand.u32 $0x1FFFFFF0, s28;
	s28 =	spop (v2sf)  }
0x3a: {  	[tilespmem:s17], [sflag:$0x1] =	stream.linear.gather [hbm4b:s21+s2], $0x80, $0x38;
	[tilespmem:$0x10200] =	vst v63  }
0x3b: {  	s17 =	sadd.s32 s3, s23;
	s21 =	sand.u32 $0x1FFFFFF0, s22;
	s22 =	sshll.u32 s28, $0x4  }
0x3c: {  	[tilespmem:s16], [sflag:$0x1] =	stream.linear.gather [hbm4b:s17+s2], $0x80, $0x38;
	[tilespmem:$0x10200] =	vst v63  }
0x3d: {  	s16 =	sadd.s32 s3, s25;
	s17 =	sand.u32 $0x1FFFFFF0, s22;
	s22 =	spop (v2sf)  }
0x3e: {  	[tilespmem:s24], [sflag:$0x1] =	stream.linear.gather [hbm4b:s16+s2], $0x80, $0x38;
	[tilespmem:$0x10200] =	vst v63  }
0x3f: {  	s16 =	sadd.s32 s3, s21;
	s21 =	sshll.u32 s22, $0x4;
	s22 =	spop (v2sf)  }
0x40: {  	[tilespmem:s20], [sflag:$0x1] =	stream.linear.gather [hbm4b:s16+s2], $0x80, $0x38;
	[tilespmem:$0x10200] =	vst v63  }
0x41: {  	s16 =	sadd.s32 s3, s26;
	s20 =	sand.u32 $0x1FFFFFF0, s21;
	s21 =	sshll.u32 s22, $0x4  }
0x42: {  	[tilespmem:s19], [sflag:$0x1] =	stream.linear.gather [hbm4b:s16+s2], $0x80, $0x38;
	[tilespmem:$0x10200] =	vst v63  }
0x43: {  	s16 =	sadd.s32 s3, s17;
	s17 =	sand.u32 $0x1FFFFFF0, s21;
	s19 =	spop (v2sf)  }
0x44: {  	[tilespmem:s18], [sflag:$0x1] =	stream.linear.gather [hbm4b:s16+s2], $0x80, $0x38;
	[tilespmem:$0x10200] =	vst v63  }
0x45: {  	s16 =	sadd.s32 s3, s20;
	s18 =	sshll.u32 s19, $0x4;
	s19 =	spop (v2sf)  }
0x46: {  	[tilespmem:s15], [sflag:$0x1] =	stream.linear.gather [hbm4b:s16+s2], $0x80, $0x38;
	[tilespmem:$0x10200] =	vst v63  }
0x47: {  	s15 =	sadd.s32 s3, s17;
	s16 =	sand.u32 $0x1FFFFFF0, s18;
	s17 =	sshll.u32 s19, $0x4  }
0x48: {  	[tilespmem:s14], [sflag:$0x1] =	stream.linear.gather [hbm4b:s15+s2], $0x80, $0x38;
	[tilespmem:$0x10200] =	vst v63  }
0x49: {  	s14 =	sadd.s32 $0x900, s12;
	s15 =	sadd.s32 s3, s16;
	s16 =	sand.u32 $0x1FFFFFF0, s17  }
0x4a: {  	[tilespmem:s14], [sflag:$0x1] =	stream.linear.gather [hbm4b:s15+s2], $0x80, $0x38;
	[tilespmem:$0x10200] =	vst v63  }
0x4b: {  	p0 =	sne.s32 s11, $0x3E000;
	s12 =	sadd.s32 $0x980, s12;
	s14 =	sadd.s32 s3, s16  }
0x4c: {  	[tilespmem:s12], [sflag:$0x1] =	stream.linear.gather [hbm4b:s14+s2], $0x80, $0x38;
	[tilespmem:$0x10200] =	vst v63  }
0x4d: {  	s12 =	smov.u32 s11;
	s11 =	sadd.s32 $0x2000, s11;
	v0 =	vld [tilespmem:s13+$0x0];
	_ =	sdelay $0x4  }
0x4e: {  	v1 =	vnsel vm0, $0x0, v0;
	v2 =	vsel vm3, $0x0, v0;
	v3 =	vsel vm14, $0x0, v0  }
0x4f: {  	v4 =	vsel vm2, $0x0, v0;
	v5 =	vsel vm15, $0x0, v0;
	(xrf0) =	vadd.scan.msk.s32 $0xffff, v1  }
0x50: {  	v6 =	vsel vm6, $0x0, v0;
	v1 =	vsel vm1, $0x0, v0;
	(xrf0) =	vadd.scan.msk.s32 $0xffff, v4  }
0x51: {  	v4 =	vsel vm7, $0x0, v0;
	(xrf0) =	vadd.scan.msk.s32 $0xffff, v2  }
0x52: {  	v2 =	vsel vm8, $0x0, v0;
	(xrf0) =	vadd.scan.msk.s32 $0xffff, v1  }
0x53: {  	v1 =	vsel vm9, $0x0, v0;
	(xrf0) =	vadd.scan.msk.s32 $0xffff, v2  }
0x54: {  	v2 =	vsel vm5, $0x0, v0;
	(xrf0) =	vadd.scan.msk.s32 $0xffff, v1  }
0x55: {  	v1 =	vsel vm4, $0x0, v0;
	v7, _, _ =	vpop (xrf0);
	(xrf0) =	vadd.scan.msk.s32 $0xffff, v2  }
0x56: {  	v2 =	vsel vm10, $0x0, v0;
	(v2sf) =	vpush v7, $0xF;
	v7, _, _ =	vpop (xrf0);
	(xrf0) =	vadd.scan.msk.s32 $0xffff, v1  }
0x57: {  	v9 =	vsel vm11, $0x0, v0;
	(v2sf) =	vpush v7, $0xF;
	v7, _, _ =	vpop (xrf0);
	(xrf0) =	vadd.scan.msk.s32 $0xffff, v2  }
0x58: {  	s12 =	sshra.s32 s12, $0x2;
	v2 =	vsel vm12, $0x0, v0;
	v8, _, _ =	vpop (xrf0);
	(v2sf) =	vpush v7, $0xF;
	(xrf0) =	vadd.scan.msk.s32 $0xffff, v9  }
0x59: {  	s22 =	sadd.s32 $0x300, s12;
	v7 =	vsel vm13, $0x0, v0;
	(v2sf) =	vpush v8, $0xF;
	v1, _, _ =	vpop (xrf0);
	(xrf0) =	vadd.scan.msk.s32 $0xffff, v2  }
0x5a: {  	s21 =	sadd.s32 $0x400, s12;
	s16 =	sadd.s32 $0x580, s12;
	(v2sf) =	vpush v1, $0xF;
	v1, _, _ =	vpop (xrf0);
	(xrf0) =	vadd.scan.msk.s32 $0xffff, v7  }
0x5b: {  	s24 =	sadd.s32 $0x200, s12;
	s26 =	sadd.s32 $0x280, s12;
	v0, _, _ =	vpop (xrf0);
	(xrf0) =	vadd.scan.msk.s32 $0xffff, v3  }
0x5c: {  	s17 =	sadd.s32 $0x500, s12;
	v2, _, _ =	vpop (xrf0);
	(xrf0) =	vadd.scan.msk.s32 $0xffff, v6  }
0x5d: {  	s23 =	sadd.s32 $0x480, s12;
	(v2sf) =	vpush v2, $0xF;
	(xrf0) =	vadd.scan.msk.s32 $0xffff, v4;
	v2, _, _ =	vpop (xrf0)  }
0x5e: {  	(v2sf) =	vpush v0, $0xF;
	v0, _, _ =	vpop (xrf0);
	(xrf0) =	vadd.scan.msk.s32 $0xffff, v5  }
0x5f: {  	(v2sf) =	vpush v2, $0xF;
	v2, _, _ =	vpop (xrf0)  }
0x60: {  	v3, _, _ =	vpop (xrf0)  }
0x61: {  	v4, _, _ =	vpop (xrf0)  }
0x62: {  	v5, _, _ =	vpop (xrf0);
	(v2sf) =	vpush v1, $0xF  }
0x63: {  	v1, _, _ =	vpop (xrf0)  }
0x64: {  	s13 =	sadd.s32 $0x10, s13;
	s15 =	sadd.s32 $0x800, s12;
	s14 =	sadd.s32 $0x880, s12;
	(v2sf) =	vpush v5, $0xF;
	v5, _, _ =	vpop (xrf0)  }
0x65: {  	s19 =	sadd.s32 $0x700, s12;
	s18 =	sadd.s32 $0x780, s12;
	s20 =	spop (v2sf)  }
0x66: {  	s25 =	sshll.u32 s20, $0x4;
	s20 =	sadd.s32 $0x680, s12;
	s28 =	spop (v2sf);
	(v2sf) =	vpush v1, $0xF  }
0x67: {  	s25 =	sand.u32 $0x1FFFFFF0, s25;
	s28 =	sshll.u32 s28, $0x4;
	s29 =	spop (v2sf)  }
0x68: {  	s25 =	sadd.s32 s3, s25;
	s28 =	sand.u32 $0x1FFFFFF0, s28;
	s30 =	spop (v2sf)  }
0x69: {  	s29 =	sshll.u32 s29, $0x4;
	s30 =	sshll.u32 s30, $0x4;
	s31 =	spop (v2sf)  }
0x6a: {  	s29 =	sand.u32 $0x1FFFFFF0, s29;
	s30 =	sand.u32 $0x1FFFFFF0, s30;
	s31 =	sshll.u32 s31, $0x4;
	(v2sf) =	vpush v0, $0xF  }
0x6b: {  	[tilespmem:s24], [sflag:$0x1] =	stream.linear.gather [hbm4b:s25+s2], $0x80, $0x38;
	[tilespmem:$0x10200] =	vst v63  }
0x6c: {  	s24 =	sadd.s32 $0x600, s12;
	s25 =	sand.u32 $0x1FFFFFF0, s31;
	s31 =	spop (v2sf)  }
0x6d: {  	s0 =	sadd.s32 $0x380, s12;
	s31 =	sshll.u32 s31, $0x4;
	s1 =	spop (v2sf)  }
0x6e: {  	s31 =	sand.u32 $0x1FFFFFF0, s31;
	s1 =	sshll.u32 s1, $0x4;
	s9 =	spop (v2sf);
	(v2sf) =	vpush v2, $0xF  }
0x6f: {  	s30 =	sadd.s32 s3, s30;
	s1 =	sand.u32 $0x1FFFFFF0, s1;
	s9 =	sshll.u32 s9, $0x4  }
0x70: {  	[tilespmem:s26], [sflag:$0x1] =	stream.linear.gather [hbm4b:s30+s2], $0x80, $0x38;
	(v2sf) =	vpush v3, $0xF;
	[tilespmem:$0x10200] =	vst v63  }
0x71: {  	s28 =	sadd.s32 s3, s28;
	s26 =	sand.u32 $0x1FFFFFF0, s9;
	s9 =	spop (v2sf)  }
0x72: {  	[tilespmem:s22], [sflag:$0x1] =	stream.linear.gather [hbm4b:s28+s2], $0x80, $0x38;
	[tilespmem:$0x10200] =	vst v63  }
0x73: {  	s28 =	sadd.s32 s3, s29;
	s22 =	sshll.u32 s9, $0x4;
	s9 =	spop (v2sf)  }
0x74: {  	[tilespmem:s0], [sflag:$0x1] =	stream.linear.gather [hbm4b:s28+s2], $0x80, $0x38;
	[tilespmem:$0x10200] =	vst v63  }
.Ltmp0:
0x75: {  	(v2sf) =	vpush v4, $0xF;
	(pc) =	sbr.rel @p0 .LBB2_2-.Ltmp0, $4  }
0x76: {  	s0 =	sadd.s32 s3, s31;
	s9 =	sshll.u32 s9, $0x4;
	s28 =	spop (v2sf)  }
0x77: {  	[tilespmem:s21], [sflag:$0x1] =	stream.linear.gather [hbm4b:s0+s2], $0x80, $0x38;
	(v2sf) =	vpush v5, $0xF;
	[tilespmem:$0x10200] =	vst v63  }
0x78: {  	s0 =	sadd.s32 s3, s1;
	s21 =	sand.u32 $0x1FFFFFF0, s9;
	s28 =	sshll.u32 s28, $0x4  }
0x79: {  	[tilespmem:s23], [sflag:$0x1] =	stream.linear.gather [hbm4b:s0+s2], $0x80, $0x38;
	[tilespmem:$0x10200] =	vst v63  }
0x7a: {  	s0 =	sadd.s32 s3, s21;
	s1 =	sand.u32 $0x1FFFFFF0, s28;
	s9 =	spop (v2sf)  }
0x7b: {  	[tilespmem:s17], [sflag:$0x1] =	stream.linear.gather [hbm4b:s0+s2], $0x80, $0x38;
	[tilespmem:$0x10200] =	vst v63  }
0x7c: {  	s30 =	sand.u32 $0x1FFFFFF0, s22;
	s31 =	sadd.s32 s3, s25;
	s29 =	sadd.s32 s3, s1  }
0x7d: {  	[tilespmem:s16], [sflag:$0x1] =	stream.linear.gather [hbm4b:s29+s2], $0x80, $0x38;
	[tilespmem:$0x10200] =	vst v63  }
0x7e: {  	s9 =	sshll.u32 s9, $0x4;
	s1 =	sadd.s32 s3, s30;
	s11 =	spop (v2sf)  }
0x7f: {  	[tilespmem:s24], [sflag:$0x1] =	stream.linear.gather [hbm4b:s31+s2], $0x80, $0x38;
	[tilespmem:$0x10200] =	vst v63  }
0x80: {  	s17 =	sadd.s32 s3, s26;
	s13 =	sshll.u32 s11, $0x4;
	s16 =	spop (v2sf)  }
0x81: {  	[tilespmem:s20], [sflag:$0x1] =	stream.linear.gather [hbm4b:s1+s2], $0x80, $0x38;
	[tilespmem:$0x10200] =	vst v63  }
0x82: {  	s9 =	sand.u32 $0x1FFFFFF0, s9;
	s11 =	sshll.u32 s16, $0x4;
	s1 =	sand.u32 $0x1FFFFFF0, s13  }
0x83: {  	[tilespmem:s19], [sflag:$0x1] =	stream.linear.gather [hbm4b:s17+s2], $0x80, $0x38;
	[tilespmem:$0x10200] =	vst v63  }
0x84: {  	s20 =	sand.u32 $0x1FFFFFF0, s11;
	s19 =	sadd.s32 s3, s9;
	s21 =	spop (v2sf)  }
0x85: {  	[tilespmem:s18], [sflag:$0x1] =	stream.linear.gather [hbm4b:s19+s2], $0x80, $0x38;
	[tilespmem:$0x10200] =	vst v63  }
0x86: {  	s22 =	sadd.s32 s3, s1;
	s23 =	sshll.u32 s21, $0x4;
	s24 =	spop (v2sf)  }
0x87: {  	[tilespmem:s15], [sflag:$0x1] =	stream.linear.gather [hbm4b:s22+s2], $0x80, $0x38;
	[tilespmem:$0x10200] =	vst v63  }
0x88: {  	s25 =	sadd.s32 s3, s20;
	s1 =	sand.u32 $0x1FFFFFF0, s23;
	s26 =	sshll.u32 s24, $0x4  }
0x89: {  	[tilespmem:s14], [sflag:$0x1] =	stream.linear.gather [hbm4b:s25+s2], $0x80, $0x38;
	[tilespmem:$0x10200] =	vst v63  }
0x8a: {  	s28 =	sadd.s32 $0x900, s12;
	s1 =	sadd.s32 s3, s1;
	s9 =	sand.u32 $0x1FFFFFF0, s26  }
0x8b: {  	[tilespmem:s28], [sflag:$0x1] =	stream.linear.gather [hbm4b:s1+s2], $0x80, $0x38;
	[tilespmem:$0x10200] =	vst v63  }
0x8c: {  	s29 =	sadd.s32 $0x980, s12;
	s30 =	sadd.s32 s3, s9  }
0x8d: {  	[tilespmem:s29], [sflag:$0x1] =	stream.linear.gather [hbm4b:s30+s2], $0x80, $0x38;
	[tilespmem:$0x10200] =	vst v63  }
0x8e: {  	s10 =	sadd.s32 $0x1, s10;
	_ =	swait.ge [sflag:s8], $0x10000  }
0x8f: {  	p0 =	sne.s32 s10, s6;
	[sflag:s8] =	ssyncset.done $0x0  }
.Ltmp1:
0x90: {  	s31 =	simm.s32 $0x200;
	[sflag:s8] =	ssyncadd.s32 $0xFFFF0000;
	(pc) =	sbr.rel @p0 .LBB2_1-.Ltmp1, $4  }
0x91: {  	[hbm4b:s5+s2] =	stream.linear.scatter [tilespmem:s31], [sflag:$0x2], $0x10000, $0x38;
	[tilespmem:$0x10200] =	vst v63  }
0x92: {  	_ =	swait.ge [sflag:s7], $0x10000  }
0x93: {  	[sflag:s7] =	ssyncset.done $0x0  }
0x94: {  	[sflag:s7] =	ssyncadd.s32 $0xFFFF0000  }
0x95: {  	_ =	sfence.sel $0x180000  }
0x96: {  	[bflag:$0x0] =	sbarrier.arrive $0xFFFF  }
0x97: {  	_ =	strace $0x90000047  }
0x98: {  	s0 =	stileid.u32;
	[bflag:$0x2] =	sbarrier.arrive $0xFFFF  }
0x99: {  	p0 =	sne.s32 s0, $0x0;
	s0 =	rddreg [dreg:$0x2]  }
0x9a: {  	s0 =	sadd.s32 @!p0 $0x100000, s0  }
0x9b: {  	[sflag:s0] =	ssyncadd.tile.s32 @!p0 $0x1;
	_ =	shalt  }
.Lfunc_end2:
_tile_overlayer_lowered:
.L_overlay_start_2:
0x9c: {  	(tag) =	ssettag $0x2  }
0x9d: {  	s0 =	rddreg [dreg:$0x0];
	s2 =	stileid.u32  }
0x9e: {  	s1 =	rddreg [dreg:$0x1];
	p0 =	sne.s32 s2, $0x0  }
0x9f: {  	s3 =	rddreg [dreg:$0x2];
	[bflag:$0x3] =	sbarrier.arrive $0xFFFF;
	s2 =	simm.s32 @!p0 $0x1C02  }
0xa0: {  	[timem:s3], [sflag:s2] =	dma.local @!p0 [hbm:s0], s1  }
0xa1: {  	s0 =	simm.s32 @!p0 $0x2  }
0xa2: {  	_ =	swait.ge @!p0 [sflag:s0], s1  }
0xa3: {  	s1 =	ssub.s32 @!p0 $0x0, s1;
	[sflag:s0] =	ssyncset.done @!p0 $0x0  }
0xa4: {  	[sflag:s0] =	ssyncadd.s32 @!p0 s1  }
0xa5: {  	[bflag:$0x3] =	sbarrier.arrive $0xFFFF  }
0xa6: {  	_ =	shalt  }

</sc_bundles>
